<compile_context>
chip_gen: v7x
topology: tpu7x:2x2x1
jax: 0.10.2.dev20260603
libtpu: 0.0.44.dev20260713+nightly
codegen_flags: <defaults>
</compile_context>

<pallas_src>
import jax
import jax.numpy as jnp
from jax import lax
from jax.experimental import pallas as pl
from jax.experimental.pallas import tpu as pltpu
from jax.experimental.pallas import tpu_sc as plsc

N_NODES = 10000
N_EDGES = 160000
IN_CH = 256
HID_CH = 512
OUT_CH = 256

NC = 2
NS = 16
CHUNK = 128
E_PAD = 163840
N_PAD = 10240
RPT = N_PAD // NS
HALF = IN_CH // 2
RBLK = 2000
GRID = N_NODES // RBLK

def _mesh():
    return plsc.VectorSubcoreMesh(core_axis_name="c", subcore_axis_name="s")


def _deg_body(dstw, onesrow, zrows, deg_out, dst_idx, ones_v, dacc, dsem):
    c = lax.axis_index("c")
    s = lax.axis_index("s")
    w = c * NS + s
    n_chunks = dstw.shape[1]
    pltpu.sync_copy(zrows, dacc.at[pl.ds(s * RPT, RPT)])
    pltpu.sync_copy(onesrow, ones_v)
    pltpu.sync_copy(dstw.at[w], dst_idx)
    plsc.subcore_barrier()

    def step(j, carry):
        pltpu.async_copy(ones_v, dacc.at[dst_idx.at[j]], dsem, add=True)
        return carry

    lax.fori_loop(0, n_chunks, step, 0)

    def drain(j, carry):
        pltpu.make_async_copy(ones_v, dacc.at[dst_idx.at[0]], dsem).wait()
        return carry

    lax.fori_loop(0, n_chunks, drain, 0)
    plsc.subcore_barrier()
    pltpu.sync_copy(dacc.at[pl.ds(s * RPT, RPT)],
                    deg_out.at[c, pl.ds(s * RPT, RPT)])


def _deg_kernel(dstw, onesrow, zrows):
    n_chunks = dstw.shape[1]
    return pl.kernel(
        _deg_body,
        out_type=jax.ShapeDtypeStruct((NC, N_PAD, HALF), jnp.float32),
        mesh=_mesh(),
        scratch_types=[
            pltpu.VMEM((n_chunks, CHUNK), jnp.int32),
            pltpu.VMEM((CHUNK, HALF), jnp.float32),
            pltpu.VMEM_SHARED((N_PAD, HALF), jnp.float32),
            pltpu.SemaphoreType.DMA,
        ],
    )(dstw, onesrow, zrows)


ACHUNK = 80
NBUF = 2


def _agg_body(table, srcg, dstg, zrows, sb_out, src_idx, dst_idx, *rest):
    rows = rest[:NBUF]
    acc = rest[NBUF]
    gs = rest[NBUF + 1:NBUF + 1 + NBUF]
    ss = rest[NBUF + 1 + NBUF:]
    c = lax.axis_index("c")
    s = lax.axis_index("s")
    w = c * NS + s
    n_chunks = dstg.shape[1]
    pltpu.sync_copy(zrows, acc.at[pl.ds(s * RPT, RPT)])
    pltpu.sync_copy(srcg.at[w], src_idx)
    pltpu.sync_copy(dstg.at[s], dst_idx)
    plsc.subcore_barrier()

    def gather(j, b):
        pltpu.async_copy(table.at[src_idx.at[pl.ds(j * ACHUNK, ACHUNK)]],
                         rows[b], gs[b])

    def wait_gather(j, b):
        pltpu.make_async_copy(table.at[src_idx.at[pl.ds(j * ACHUNK, ACHUNK)]],
                              rows[b], gs[b]).wait()

    def scatter(j, b):
        pltpu.async_copy(rows[b], acc.at[dst_idx.at[j]], ss[b], add=True)

    def wait_scatter(j, b):
        pltpu.make_async_copy(rows[b], acc.at[dst_idx.at[j]], ss[b]).wait()

    gather(0, 0)
    gather(1, 1)

    def step(k, carry):
        for b in range(NBUF):
            j = k * NBUF + b
            wait_gather(j, b)
            scatter(j, b)
            wait_scatter(j, b)
            gather(j + NBUF, b)
        return carry

    lax.fori_loop(0, n_chunks // NBUF - 1, step, 0)
    for b in range(NBUF):
        j = n_chunks - NBUF + b
        wait_gather(j, b)
        scatter(j, b)
        wait_scatter(j, b)

    plsc.subcore_barrier()
    pltpu.sync_copy(acc.at[pl.ds(s * RPT, RPT)],
                    sb_out.at[c, pl.ds(s * RPT, RPT)])


def _agg_kernel(table, srcg, dstg, zrows):
    e_per_tile = srcg.shape[1]
    n_chunks = e_per_tile // ACHUNK
    return pl.kernel(
        _agg_body,
        out_type=jax.ShapeDtypeStruct((NC, N_PAD, HALF), jnp.float32),
        mesh=_mesh(),
        scratch_types=[
            pltpu.VMEM((e_per_tile,), jnp.int32),
            pltpu.VMEM((n_chunks, ACHUNK), jnp.int32),
        ] + [pltpu.VMEM((ACHUNK, HALF), jnp.float32)] * NBUF + [
            pltpu.VMEM_SHARED((N_PAD, HALF), jnp.float32),
        ] + [pltpu.SemaphoreType.DMA] * (2 * NBUF),
    )(table, srcg, dstg, zrows)


def _dinv_of(dp):
    deg = dp[0, :, 0:1] + dp[1, :, 0:1] + 1.0
    return lax.rsqrt(deg)


def _scale_body(dp_ref, x_ref, out_ref):
    u = x_ref[...] * _dinv_of(dp_ref[...])
    out_ref[0] = u[:, :HALF]
    out_ref[1] = u[:, HALF:]


def _scale_kernel(deg_parts, x):
    return pl.pallas_call(
        _scale_body,
        grid=(GRID,),
        in_specs=[
            pl.BlockSpec((NC, RBLK, HALF), lambda i: (0, i, 0)),
            pl.BlockSpec((RBLK, IN_CH), lambda i: (i, 0)),
        ],
        out_specs=pl.BlockSpec((NC, RBLK, HALF), lambda i: (0, i, 0)),
        out_shape=jax.ShapeDtypeStruct((NC, N_NODES, HALF), jnp.float32),
    )(deg_parts, x)


def _mm_body(dp_ref, sb_ref, ub_ref, w1_ref, b1_ref, w2_ref, out_ref):
    dinv = _dinv_of(dp_ref[...])
    z = jnp.concatenate(
        [sb_ref[0] + ub_ref[0], sb_ref[1] + ub_ref[1]], axis=1) * dinv
    h = jnp.dot(z.astype(jnp.bfloat16), w1_ref[...],
                preferred_element_type=jnp.float32)
    h = jnp.maximum(h + b1_ref[...], 0.0)
    t = jnp.dot(h.astype(jnp.bfloat16), w2_ref[...],
                preferred_element_type=jnp.float32)
    u2 = t * dinv
    out_ref[0] = u2[:, :HALF]
    out_ref[1] = u2[:, HALF:]


def _mm_kernel(deg_parts, s1, u1b, W1, b1, W2):
    return pl.pallas_call(
        _mm_body,
        grid=(GRID,),
        in_specs=[
            pl.BlockSpec((NC, RBLK, HALF), lambda i: (0, i, 0)),
            pl.BlockSpec((NC, RBLK, HALF), lambda i: (0, i, 0)),
            pl.BlockSpec((NC, RBLK, HALF), lambda i: (0, i, 0)),
            pl.BlockSpec((IN_CH, HID_CH), lambda i: (0, 0)),
            pl.BlockSpec((1, HID_CH), lambda i: (0, 0)),
            pl.BlockSpec((HID_CH, OUT_CH), lambda i: (0, 0)),
        ],
        out_specs=pl.BlockSpec((NC, RBLK, HALF), lambda i: (0, i, 0)),
        out_shape=jax.ShapeDtypeStruct((NC, N_NODES, HALF), jnp.float32),
    )(deg_parts, s1, u1b, W1, b1, W2)


def _out_body(dp_ref, sb_ref, ub_ref, b2_ref, out_ref):
    dinv = _dinv_of(dp_ref[...])
    o = jnp.concatenate(
        [sb_ref[0] + ub_ref[0], sb_ref[1] + ub_ref[1]], axis=1) * dinv
    o = o + b2_ref[...]
    m = jnp.max(o, axis=1, keepdims=True)
    e = jnp.exp(o - m)
    lse = jnp.log(jnp.sum(e, axis=1, keepdims=True))
    out_ref[...] = o - m - lse


def _out_kernel(deg_parts, s2, u2b, b2):
    return pl.pallas_call(
        _out_body,
        grid=(GRID,),
        in_specs=[
            pl.BlockSpec((NC, RBLK, HALF), lambda i: (0, i, 0)),
            pl.BlockSpec((NC, RBLK, HALF), lambda i: (0, i, 0)),
            pl.BlockSpec((NC, RBLK, HALF), lambda i: (0, i, 0)),
            pl.BlockSpec((1, OUT_CH), lambda i: (0, 0)),
        ],
        out_specs=pl.BlockSpec((RBLK, OUT_CH), lambda i: (i, 0)),
        out_shape=jax.ShapeDtypeStruct((N_NODES, OUT_CH), jnp.float32),
    )(deg_parts, s2, u2b, b2)


def kernel(x, edge_index, W1, b1, W2, b2):
    src = edge_index[0].astype(jnp.int32)
    dst = edge_index[1].astype(jnp.int32)
    pad = E_PAD - N_EDGES
    src_p = jnp.concatenate([src, jnp.zeros((pad,), jnp.int32)])
    dst_p = jnp.concatenate([dst, jnp.full((pad,), N_NODES, jnp.int32)])
    dstw = dst_p.reshape(NC * NS, E_PAD // (NC * NS * CHUNK), CHUNK)
    src_t = src_p.reshape(NS, E_PAD // NS)
    srcg = jnp.concatenate([src_t, src_t + N_NODES], axis=0)
    dstg = dst_p.reshape(NS, E_PAD // (NS * ACHUNK), ACHUNK)
    onesrow = jnp.zeros((CHUNK, HALF), jnp.float32).at[:, 0].set(1.0)
    zrows = jnp.zeros((RPT, HALF), jnp.float32)

    deg_parts = _deg_kernel(dstw, onesrow, zrows)
    u1b = _scale_kernel(deg_parts, x)
    s1 = _agg_kernel(u1b.reshape(NC * N_NODES, HALF), srcg, dstg, zrows)
    u2b = _mm_kernel(deg_parts, s1, u1b, W1.astype(jnp.bfloat16),
                     b1.reshape(1, HID_CH), W2.astype(jnp.bfloat16))
    s2 = _agg_kernel(u2b.reshape(NC * N_NODES, HALF), srcg, dstg, zrows)
    return _out_kernel(deg_parts, s2, u2b, b2.reshape(1, OUT_CH))

# --- scband reference (transcript-rebuilt; emitter-appended) ---
"""Pipeline reference for scband-gcn-h1-14766097563938 (READ-ONLY COPY).

The authoritative reference and input builder live on the scoring server;
editing this copy changes nothing except your own understanding.
"""

import jax, jax.numpy as jnp
import numpy as np

N_NODES = 10000
N_EDGES = 160000
IN_CH = 256
HID_CH = 512
OUT_CH = 256


def gcn_conv(x, W, b, src, dst, n_nodes):
    # h = X W
    h = x @ W
    # add self loops (PyG GCNConv default add_self_loops=True)
    loop = jnp.arange(n_nodes, dtype=src.dtype)
    src2 = jnp.concatenate([src, loop])
    dst2 = jnp.concatenate([dst, loop])
    ew = jnp.ones(src2.shape[0], dtype=x.dtype)
    # symmetric normalization: deg computed on target (col) index
    deg = jax.ops.segment_sum(ew, dst2, num_segments=n_nodes)
    dinv = jnp.where(deg > 0, jax.lax.rsqrt(deg), 0.0)
    norm = dinv[src2] * dinv[dst2]
    # message = norm * h[src], aggregate (sum) at dst
    msg = h[src2] * norm[:, None]
    out = jax.ops.segment_sum(msg, dst2, num_segments=n_nodes)
    return out + b


def setup_inputs(seed: int = 0) -> dict:
    key = jax.random.key(seed)
    k1, k2, k3, k4, k5, k6 = jax.random.split(key, 6)
    x = jax.random.normal(k1, (N_NODES, IN_CH), dtype=jnp.float32)
    edge_index = jax.random.randint(k2, (2, N_EDGES), 0, N_NODES, dtype=jnp.int64)
    # glorot-style init for weights, zeros for bias (PyG default)
    W1 = jax.random.normal(k3, (IN_CH, HID_CH), dtype=jnp.float32) * (1.0 / np.sqrt(IN_CH))
    b1 = jnp.zeros((HID_CH,), dtype=jnp.float32)
    W2 = jax.random.normal(k4, (HID_CH, OUT_CH), dtype=jnp.float32) * (1.0 / np.sqrt(HID_CH))
    b2 = jnp.zeros((OUT_CH,), dtype=jnp.float32)
    return {"x": x, "edge_index": edge_index, "W1": W1, "b1": b1, "W2": W2, "b2": b2}


def reference(x, edge_index, W1, b1, W2, b2):
    src = edge_index[0]
    dst = edge_index[1]
    h = gcn_conv(x, W1, b1, src, dst, N_NODES)
    h = jax.nn.relu(h)
    # dropout is identity in eval mode (training=False)
    h = gcn_conv(h, W2, b2, src, dst, N_NODES)
    return jax.nn.log_softmax(h, axis=1)

if __name__ == "__main__":
    import jax
    _d = setup_inputs()
    print(jax.jit(kernel)(*tuple(_d.values())))

</pallas_src>

<mosaic_0001>
#map = affine_map<(d0, d1) -> (0, 0)>
#map1 = affine_map<(d0, d1) -> (0, 0, 0)>
module attributes {stable_mosaic.version = 14 : i64} {
  func.func @_agg_body(%arg0: i32, %arg1: i32, %arg2: memref<20000x128xf32, #tpu.memory_space<hbm>>, %arg3: memref<32x10240xi32, #tpu.memory_space<hbm>>, %arg4: memref<16x128x80xi32, #tpu.memory_space<hbm>>, %arg5: memref<640x128xf32, #tpu.memory_space<hbm>>, %arg6: memref<2x10240x128xf32, #tpu.memory_space<hbm>>, %arg7: memref<10240xi32, #tpu.memory_space<vmem>>, %arg8: memref<128x80xi32, #tpu.memory_space<vmem>>, %arg9: memref<80x128xf32, #tpu.memory_space<vmem>>, %arg10: memref<80x128xf32, #tpu.memory_space<vmem>>, %arg11: memref<10240x128xf32, #tpu.memory_space<vmem_shared>>, %arg12: memref<!tpu.dma_semaphore, #tpu.memory_space<semaphore_mem>>, %arg13: memref<!tpu.dma_semaphore, #tpu.memory_space<semaphore_mem>>, %arg14: memref<!tpu.dma_semaphore, #tpu.memory_space<semaphore_mem>>, %arg15: memref<!tpu.dma_semaphore, #tpu.memory_space<semaphore_mem>>) attributes {dimension_semantics = [#tpu.dimension_semantics<core_parallel>, #tpu.dimension_semantics<subcore_parallel>], iteration_bounds = array<i64: 2, 16>, scalar_prefetch = 0 : i64, scratch_operands = 9 : i64, tpu.core_type = #tpu.core_type<sc_vector_subcore>, window_params = [{transform_indices = #map}, {transform_indices = #map}, {transform_indices = #map1}, {transform_indices = #map}, {transform_indices = #map1}]} {
    %mul3A = arith.constant 16 : i32
    %mul3A_0 = arith.muli %arg0, %mul3A : i32
    %add3A = arith.addi %mul3A_0, %arg1 : i32
    %mul3A_1 = arith.constant 640 : i32
    %mul3A_2 = arith.muli %arg1, %mul3A_1 : i32
    "tpu.region"() ({
      %run_scoped3A = tpu.sem_alloc : memref<!tpu.dma_semaphore, #tpu.memory_space<semaphore_mem>>
      %dma_start3A_59 = arith.constant 0 : i32
      %dma_start3A_60 = tpu.memref_slice %arg11[%mul3A_2, %dma_start3A_59] : memref<10240x128xf32, #tpu.memory_space<vmem_shared>> -> memref<640x128xf32, #tpu.memory_space<vmem_shared>>
      tpu.enqueue_dma source(%arg5 : memref<640x128xf32, #tpu.memory_space<hbm>>) target(%dma_start3A_60 : memref<640x128xf32, #tpu.memory_space<vmem_shared>>) target_semaphore(%run_scoped3A : memref<!tpu.dma_semaphore, #tpu.memory_space<semaphore_mem>>)
      %dma_wait3A_61 = arith.constant 0 : i32
      %dma_wait3A_62 = tpu.memref_slice %arg11[%mul3A_2, %dma_wait3A_61] : memref<10240x128xf32, #tpu.memory_space<vmem_shared>> -> memref<640x128xf32, #tpu.memory_space<vmem_shared>>
      tpu.wait_dma2 semaphore(%run_scoped3A : memref<!tpu.dma_semaphore, #tpu.memory_space<semaphore_mem>>) src(%arg5 : memref<640x128xf32, #tpu.memory_space<hbm>>) dst(%dma_wait3A_62 : memref<640x128xf32, #tpu.memory_space<vmem_shared>>)
      tpu.yield
    }) : () -> ()
    "tpu.region"() ({
      %run_scoped3A = tpu.sem_alloc : memref<!tpu.dma_semaphore, #tpu.memory_space<semaphore_mem>>
      %dma_start3A_59 = arith.constant 0 : i32
      %dma_start3A_60 = tpu.memref_slice %arg3[%add3A, %dma_start3A_59] : memref<32x10240xi32, #tpu.memory_space<hbm>> -> memref<1x10240xi32, #tpu.memory_space<hbm>>
      %dma_start3A_61 = tpu.memref_squeeze %dma_start3A_60 : memref<1x10240xi32, #tpu.memory_space<hbm>> -> memref<10240xi32, #tpu.memory_space<hbm>>
      %dma_start3A_62 = arith.constant 0 : i32
      %dma_start3A_63 = tpu.memref_slice %arg3[%add3A, %dma_start3A_62] : memref<32x10240xi32, #tpu.memory_space<hbm>> -> memref<1x10240xi32, #tpu.memory_space<hbm>>
      %dma_start3A_64 = tpu.memref_squeeze %dma_start3A_63 : memref<1x10240xi32, #tpu.memory_space<hbm>> -> memref<10240xi32, #tpu.memory_space<hbm>>
      tpu.enqueue_dma source(%dma_start3A_64 : memref<10240xi32, #tpu.memory_space<hbm>>) target(%arg7 : memref<10240xi32, #tpu.memory_space<vmem>>) target_semaphore(%run_scoped3A : memref<!tpu.dma_semaphore, #tpu.memory_space<semaphore_mem>>)
      %dma_wait3A_65 = arith.constant 0 : i32
      %dma_wait3A_66 = tpu.memref_slice %arg3[%add3A, %dma_wait3A_65] : memref<32x10240xi32, #tpu.memory_space<hbm>> -> memref<1x10240xi32, #tpu.memory_space<hbm>>
      %dma_wait3A_67 = tpu.memref_squeeze %dma_wait3A_66 : memref<1x10240xi32, #tpu.memory_space<hbm>> -> memref<10240xi32, #tpu.memory_space<hbm>>
      %dma_wait3A_68 = arith.constant 0 : i32
      %dma_wait3A_69 = tpu.memref_slice %arg3[%add3A, %dma_wait3A_68] : memref<32x10240xi32, #tpu.memory_space<hbm>> -> memref<1x10240xi32, #tpu.memory_space<hbm>>
      %dma_wait3A_70 = tpu.memref_squeeze %dma_wait3A_69 : memref<1x10240xi32, #tpu.memory_space<hbm>> -> memref<10240xi32, #tpu.memory_space<hbm>>
      tpu.wait_dma2 semaphore(%run_scoped3A : memref<!tpu.dma_semaphore, #tpu.memory_space<semaphore_mem>>) src(%dma_wait3A_70 : memref<10240xi32, #tpu.memory_space<hbm>>) dst(%arg7 : memref<10240xi32, #tpu.memory_space<vmem>>)
      tpu.yield
    }) : () -> ()
    "tpu.region"() ({
      %run_scoped3A = tpu.sem_alloc : memref<!tpu.dma_semaphore, #tpu.memory_space<semaphore_mem>>
      %dma_start3A_59 = arith.constant 0 : i32
      %dma_start3A_60 = arith.constant 0 : i32
      %dma_start3A_61 = tpu.memref_slice %arg4[%arg1, %dma_start3A_59, %dma_start3A_60] : memref<16x128x80xi32, #tpu.memory_space<hbm>> -> memref<1x128x80xi32, #tpu.memory_space<hbm>>
      %dma_start3A_62 = tpu.memref_squeeze %dma_start3A_61 : memref<1x128x80xi32, #tpu.memory_space<hbm>> -> memref<128x80xi32, #tpu.memory_space<hbm>>
      %dma_start3A_63 = arith.constant 0 : i32
      %dma_start3A_64 = arith.constant 0 : i32
      %dma_start3A_65 = tpu.memref_slice %arg4[%arg1, %dma_start3A_63, %dma_start3A_64] : memref<16x128x80xi32, #tpu.memory_space<hbm>> -> memref<1x128x80xi32, #tpu.memory_space<hbm>>
      %dma_start3A_66 = tpu.memref_squeeze %dma_start3A_65 : memref<1x128x80xi32, #tpu.memory_space<hbm>> -> memref<128x80xi32, #tpu.memory_space<hbm>>
      tpu.enqueue_dma source(%dma_start3A_66 : memref<128x80xi32, #tpu.memory_space<hbm>>) target(%arg8 : memref<128x80xi32, #tpu.memory_space<vmem>>) target_semaphore(%run_scoped3A : memref<!tpu.dma_semaphore, #tpu.memory_space<semaphore_mem>>)
      %dma_wait3A_67 = arith.constant 0 : i32
      %dma_wait3A_68 = arith.constant 0 : i32
      %dma_wait3A_69 = tpu.memref_slice %arg4[%arg1, %dma_wait3A_67, %dma_wait3A_68] : memref<16x128x80xi32, #tpu.memory_space<hbm>> -> memref<1x128x80xi32, #tpu.memory_space<hbm>>
      %dma_wait3A_70 = tpu.memref_squeeze %dma_wait3A_69 : memref<1x128x80xi32, #tpu.memory_space<hbm>> -> memref<128x80xi32, #tpu.memory_space<hbm>>
      %dma_wait3A_71 = arith.constant 0 : i32
      %dma_wait3A_72 = arith.constant 0 : i32
      %dma_wait3A_73 = tpu.memref_slice %arg4[%arg1, %dma_wait3A_71, %dma_wait3A_72] : memref<16x128x80xi32, #tpu.memory_space<hbm>> -> memref<1x128x80xi32, #tpu.memory_space<hbm>>
      %dma_wait3A_74 = tpu.memref_squeeze %dma_wait3A_73 : memref<1x128x80xi32, #tpu.memory_space<hbm>> -> memref<128x80xi32, #tpu.memory_space<hbm>>
      tpu.wait_dma2 semaphore(%run_scoped3A : memref<!tpu.dma_semaphore, #tpu.memory_space<semaphore_mem>>) src(%dma_wait3A_74 : memref<128x80xi32, #tpu.memory_space<hbm>>) dst(%arg8 : memref<128x80xi32, #tpu.memory_space<vmem>>)
      tpu.yield
    }) : () -> ()
    %barrier3A = arith.constant 0 : index
    tpu.barrier barrier_id(%barrier3A)
    %dma_start3A = arith.constant 0 : i32
    %dma_start3A_3 = tpu.memref_slice %arg7[%dma_start3A] : memref<10240xi32, #tpu.memory_space<vmem>> -> memref<80xi32, #tpu.memory_space<vmem>>
    %dma_start3A_4 = arith.constant 0 : i32
    %dma_start3A_5 = arith.constant 0 : i32
    %dma_start3A_6 = tpu.memref_slice %arg2[%dma_start3A_4, %dma_start3A_5] : memref<20000x128xf32, #tpu.memory_space<hbm>> -> memref<20000x128xf32, #tpu.memory_space<hbm>>
    tpu.enqueue_indirect_dma source(%dma_start3A_6 : memref<20000x128xf32, #tpu.memory_space<hbm>>) target(%arg9 : memref<80x128xf32, #tpu.memory_space<vmem>>) offsets(%dma_start3A_3 : memref<80xi32, #tpu.memory_space<vmem>>) semaphore(%arg12 : memref<!tpu.dma_semaphore, #tpu.memory_space<semaphore_mem>>)
    %dma_start3A_7 = arith.constant 80 : i32
    %dma_start3A_8 = tpu.memref_slice %arg7[%dma_start3A_7] : memref<10240xi32, #tpu.memory_space<vmem>> -> memref<80xi32, #tpu.memory_space<vmem>>
    %dma_start3A_9 = arith.constant 0 : i32
    %dma_start3A_10 = arith.constant 0 : i32
    %dma_start3A_11 = tpu.memref_slice %arg2[%dma_start3A_9, %dma_start3A_10] : memref<20000x128xf32, #tpu.memory_space<hbm>> -> memref<20000x128xf32, #tpu.memory_space<hbm>>
    tpu.enqueue_indirect_dma source(%dma_start3A_11 : memref<20000x128xf32, #tpu.memory_space<hbm>>) target(%arg10 : memref<80x128xf32, #tpu.memory_space<vmem>>) offsets(%dma_start3A_8 : memref<80xi32, #tpu.memory_space<vmem>>) semaphore(%arg13 : memref<!tpu.dma_semaphore, #tpu.memory_space<semaphore_mem>>)
    %scan3A = arith.constant 0 : i32
    %scan3A_12 = arith.constant 0 : i32
    %scan3A_13 = arith.constant 63 : i32
    %scan3A_14 = arith.addi %scan3A_12, %scan3A_13 : i32
    %scan3A_15 = arith.constant 1 : i32
    scf.for %scan3A_59 = %scan3A_12 to %scan3A_14 step %scan3A_15  : i32 {
      %mul3A_60 = arith.constant 2 : i32
      %mul3A_61 = arith.muli %scan3A_59, %mul3A_60 : i32
      %add3A_62 = arith.constant 0 : i32
      %add3A_63 = arith.addi %mul3A_61, %add3A_62 : i32
      %mul3A_64 = arith.constant 80 : i32
      %mul3A_65 = arith.muli %add3A_63, %mul3A_64 : i32
      %dma_wait3A_66 = tpu.memref_slice %arg7[%mul3A_65] : memref<10240xi32, #tpu.memory_space<vmem>> -> memref<80xi32, #tpu.memory_space<vmem>>
      %dma_wait3A_67 = arith.constant 0 : i32
      %dma_wait3A_68 = arith.constant 0 : i32
      %dma_wait3A_69 = tpu.memref_slice %arg2[%dma_wait3A_67, %dma_wait3A_68] : memref<20000x128xf32, #tpu.memory_space<hbm>> -> memref<20000x128xf32, #tpu.memory_space<hbm>>
      tpu.wait_indirect_dma semaphore(%arg12 : memref<!tpu.dma_semaphore, #tpu.memory_space<semaphore_mem>>) src(%dma_wait3A_69 : memref<20000x128xf32, #tpu.memory_space<hbm>>) dst(%arg9 : memref<80x128xf32, #tpu.memory_space<vmem>>)
      %dma_start3A_70 = arith.constant 0 : i32
      %dma_start3A_71 = tpu.memref_slice %arg8[%add3A_63, %dma_start3A_70] : memref<128x80xi32, #tpu.memory_space<vmem>> -> memref<1x80xi32, #tpu.memory_space<vmem>>
      %dma_start3A_72 = tpu.memref_squeeze %dma_start3A_71 : memref<1x80xi32, #tpu.memory_space<vmem>> -> memref<80xi32, #tpu.memory_space<vmem>>
      %dma_start3A_73 = arith.constant 0 : i32
      %dma_start3A_74 = arith.constant 0 : i32
      %dma_start3A_75 = tpu.memref_slice %arg11[%dma_start3A_73, %dma_start3A_74] : memref<10240x128xf32, #tpu.memory_space<vmem_shared>> -> memref<10240x128xf32, #tpu.memory_space<vmem_shared>>
      tpu.enqueue_indirect_dma source(%arg9 : memref<80x128xf32, #tpu.memory_space<vmem>>) target(%dma_start3A_75 : memref<10240x128xf32, #tpu.memory_space<vmem_shared>>) offsets(%dma_start3A_72 : memref<80xi32, #tpu.memory_space<vmem>>) semaphore(%arg14 : memref<!tpu.dma_semaphore, #tpu.memory_space<semaphore_mem>>) {add = true}
      %dma_wait3A_76 = arith.constant 0 : i32
      %dma_wait3A_77 = tpu.memref_slice %arg8[%add3A_63, %dma_wait3A_76] : memref<128x80xi32, #tpu.memory_space<vmem>> -> memref<1x80xi32, #tpu.memory_space<vmem>>
      %dma_wait3A_78 = tpu.memref_squeeze %dma_wait3A_77 : memref<1x80xi32, #tpu.memory_space<vmem>> -> memref<80xi32, #tpu.memory_space<vmem>>
      %dma_wait3A_79 = arith.constant 0 : i32
      %dma_wait3A_80 = arith.constant 0 : i32
      %dma_wait3A_81 = tpu.memref_slice %arg11[%dma_wait3A_79, %dma_wait3A_80] : memref<10240x128xf32, #tpu.memory_space<vmem_shared>> -> memref<10240x128xf32, #tpu.memory_space<vmem_shared>>
      tpu.wait_indirect_dma semaphore(%arg14 : memref<!tpu.dma_semaphore, #tpu.memory_space<semaphore_mem>>) src(%arg9 : memref<80x128xf32, #tpu.memory_space<vmem>>) dst(%dma_wait3A_81 : memref<10240x128xf32, #tpu.memory_space<vmem_shared>>)
      %add3A_82 = arith.constant 2 : i32
      %add3A_83 = arith.addi %add3A_63, %add3A_82 : i32
      %mul3A_84 = arith.constant 80 : i32
      %mul3A_85 = arith.muli %add3A_83, %mul3A_84 : i32
      %dma_start3A_86 = tpu.memref_slice %arg7[%mul3A_85] : memref<10240xi32, #tpu.memory_space<vmem>> -> memref<80xi32, #tpu.memory_space<vmem>>
      %dma_start3A_87 = arith.constant 0 : i32
      %dma_start3A_88 = arith.constant 0 : i32
      %dma_start3A_89 = tpu.memref_slice %arg2[%dma_start3A_87, %dma_start3A_88] : memref<20000x128xf32, #tpu.memory_space<hbm>> -> memref<20000x128xf32, #tpu.memory_space<hbm>>
      tpu.enqueue_indirect_dma source(%dma_start3A_89 : memref<20000x128xf32, #tpu.memory_space<hbm>>) target(%arg9 : memref<80x128xf32, #tpu.memory_space<vmem>>) offsets(%dma_start3A_86 : memref<80xi32, #tpu.memory_space<vmem>>) semaphore(%arg12 : memref<!tpu.dma_semaphore, #tpu.memory_space<semaphore_mem>>)
      %mul3A_90 = arith.constant 2 : i32
      %mul3A_91 = arith.muli %scan3A_59, %mul3A_90 : i32
      %add3A_92 = arith.constant 1 : i32
      %add3A_93 = arith.addi %mul3A_91, %add3A_92 : i32
      %mul3A_94 = arith.constant 80 : i32
      %mul3A_95 = arith.muli %add3A_93, %mul3A_94 : i32
      %dma_wait3A_96 = tpu.memref_slice %arg7[%mul3A_95] : memref<10240xi32, #tpu.memory_space<vmem>> -> memref<80xi32, #tpu.memory_space<vmem>>
      %dma_wait3A_97 = arith.constant 0 : i32
      %dma_wait3A_98 = arith.constant 0 : i32
      %dma_wait3A_99 = tpu.memref_slice %arg2[%dma_wait3A_97, %dma_wait3A_98] : memref<20000x128xf32, #tpu.memory_space<hbm>> -> memref<20000x128xf32, #tpu.memory_space<hbm>>
      tpu.wait_indirect_dma semaphore(%arg13 : memref<!tpu.dma_semaphore, #tpu.memory_space<semaphore_mem>>) src(%dma_wait3A_99 : memref<20000x128xf32, #tpu.memory_space<hbm>>) dst(%arg10 : memref<80x128xf32, #tpu.memory_space<vmem>>)
      %dma_start3A_100 = arith.constant 0 : i32
      %dma_start3A_101 = tpu.memref_slice %arg8[%add3A_93, %dma_start3A_100] : memref<128x80xi32, #tpu.memory_space<vmem>> -> memref<1x80xi32, #tpu.memory_space<vmem>>
      %dma_start3A_102 = tpu.memref_squeeze %dma_start3A_101 : memref<1x80xi32, #tpu.memory_space<vmem>> -> memref<80xi32, #tpu.memory_space<vmem>>
      %dma_start3A_103 = arith.constant 0 : i32
      %dma_start3A_104 = arith.constant 0 : i32
      %dma_start3A_105 = tpu.memref_slice %arg11[%dma_start3A_103, %dma_start3A_104] : memref<10240x128xf32, #tpu.memory_space<vmem_shared>> -> memref<10240x128xf32, #tpu.memory_space<vmem_shared>>
      tpu.enqueue_indirect_dma source(%arg10 : memref<80x128xf32, #tpu.memory_space<vmem>>) target(%dma_start3A_105 : memref<10240x128xf32, #tpu.memory_space<vmem_shared>>) offsets(%dma_start3A_102 : memref<80xi32, #tpu.memory_space<vmem>>) semaphore(%arg15 : memref<!tpu.dma_semaphore, #tpu.memory_space<semaphore_mem>>) {add = true}
      %dma_wait3A_106 = arith.constant 0 : i32
      %dma_wait3A_107 = tpu.memref_slice %arg8[%add3A_93, %dma_wait3A_106] : memref<128x80xi32, #tpu.memory_space<vmem>> -> memref<1x80xi32, #tpu.memory_space<vmem>>
      %dma_wait3A_108 = tpu.memref_squeeze %dma_wait3A_107 : memref<1x80xi32, #tpu.memory_space<vmem>> -> memref<80xi32, #tpu.memory_space<vmem>>
      %dma_wait3A_109 = arith.constant 0 : i32
      %dma_wait3A_110 = arith.constant 0 : i32
      %dma_wait3A_111 = tpu.memref_slice %arg11[%dma_wait3A_109, %dma_wait3A_110] : memref<10240x128xf32, #tpu.memory_space<vmem_shared>> -> memref<10240x128xf32, #tpu.memory_space<vmem_shared>>
      tpu.wait_indirect_dma semaphore(%arg15 : memref<!tpu.dma_semaphore, #tpu.memory_space<semaphore_mem>>) src(%arg10 : memref<80x128xf32, #tpu.memory_space<vmem>>) dst(%dma_wait3A_111 : memref<10240x128xf32, #tpu.memory_space<vmem_shared>>)
      %add3A_112 = arith.constant 2 : i32
      %add3A_113 = arith.addi %add3A_93, %add3A_112 : i32
      %mul3A_114 = arith.constant 80 : i32
      %mul3A_115 = arith.muli %add3A_113, %mul3A_114 : i32
      %dma_start3A_116 = tpu.memref_slice %arg7[%mul3A_115] : memref<10240xi32, #tpu.memory_space<vmem>> -> memref<80xi32, #tpu.memory_space<vmem>>
      %dma_start3A_117 = arith.constant 0 : i32
      %dma_start3A_118 = arith.constant 0 : i32
      %dma_start3A_119 = tpu.memref_slice %arg2[%dma_start3A_117, %dma_start3A_118] : memref<20000x128xf32, #tpu.memory_space<hbm>> -> memref<20000x128xf32, #tpu.memory_space<hbm>>
      tpu.enqueue_indirect_dma source(%dma_start3A_119 : memref<20000x128xf32, #tpu.memory_space<hbm>>) target(%arg10 : memref<80x128xf32, #tpu.memory_space<vmem>>) offsets(%dma_start3A_116 : memref<80xi32, #tpu.memory_space<vmem>>) semaphore(%arg13 : memref<!tpu.dma_semaphore, #tpu.memory_space<semaphore_mem>>)
    }
    %scan3A_16 = arith.constant 63 : i32
    %dma_wait3A = arith.constant 10080 : i32
    %dma_wait3A_17 = tpu.memref_slice %arg7[%dma_wait3A] : memref<10240xi32, #tpu.memory_space<vmem>> -> memref<80xi32, #tpu.memory_space<vmem>>
    %dma_wait3A_18 = arith.constant 0 : i32
    %dma_wait3A_19 = arith.constant 0 : i32
    %dma_wait3A_20 = tpu.memref_slice %arg2[%dma_wait3A_18, %dma_wait3A_19] : memref<20000x128xf32, #tpu.memory_space<hbm>> -> memref<20000x128xf32, #tpu.memory_space<hbm>>
    tpu.wait_indirect_dma semaphore(%arg12 : memref<!tpu.dma_semaphore, #tpu.memory_space<semaphore_mem>>) src(%dma_wait3A_20 : memref<20000x128xf32, #tpu.memory_space<hbm>>) dst(%arg9 : memref<80x128xf32, #tpu.memory_space<vmem>>)
    %dma_start3A_21 = arith.constant 126 : i32
    %dma_start3A_22 = arith.constant 0 : i32
    %dma_start3A_23 = tpu.memref_slice %arg8[%dma_start3A_21, %dma_start3A_22] : memref<128x80xi32, #tpu.memory_space<vmem>> -> memref<1x80xi32, #tpu.memory_space<vmem>>
    %dma_start3A_24 = tpu.memref_squeeze %dma_start3A_23 : memref<1x80xi32, #tpu.memory_space<vmem>> -> memref<80xi32, #tpu.memory_space<vmem>>
    %dma_start3A_25 = arith.constant 0 : i32
    %dma_start3A_26 = arith.constant 0 : i32
    %dma_start3A_27 = tpu.memref_slice %arg11[%dma_start3A_25, %dma_start3A_26] : memref<10240x128xf32, #tpu.memory_space<vmem_shared>> -> memref<10240x128xf32, #tpu.memory_space<vmem_shared>>
    tpu.enqueue_indirect_dma source(%arg9 : memref<80x128xf32, #tpu.memory_space<vmem>>) target(%dma_start3A_27 : memref<10240x128xf32, #tpu.memory_space<vmem_shared>>) offsets(%dma_start3A_24 : memref<80xi32, #tpu.memory_space<vmem>>) semaphore(%arg14 : memref<!tpu.dma_semaphore, #tpu.memory_space<semaphore_mem>>) {add = true}
    %dma_wait3A_28 = arith.constant 126 : i32
    %dma_wait3A_29 = arith.constant 0 : i32
    %dma_wait3A_30 = tpu.memref_slice %arg8[%dma_wait3A_28, %dma_wait3A_29] : memref<128x80xi32, #tpu.memory_space<vmem>> -> memref<1x80xi32, #tpu.memory_space<vmem>>
    %dma_wait3A_31 = tpu.memref_squeeze %dma_wait3A_30 : memref<1x80xi32, #tpu.memory_space<vmem>> -> memref<80xi32, #tpu.memory_space<vmem>>
    %dma_wait3A_32 = arith.constant 0 : i32
    %dma_wait3A_33 = arith.constant 0 : i32
    %dma_wait3A_34 = tpu.memref_slice %arg11[%dma_wait3A_32, %dma_wait3A_33] : memref<10240x128xf32, #tpu.memory_space<vmem_shared>> -> memref<10240x128xf32, #tpu.memory_space<vmem_shared>>
    tpu.wait_indirect_dma semaphore(%arg14 : memref<!tpu.dma_semaphore, #tpu.memory_space<semaphore_mem>>) src(%arg9 : memref<80x128xf32, #tpu.memory_space<vmem>>) dst(%dma_wait3A_34 : memref<10240x128xf32, #tpu.memory_space<vmem_shared>>)
    %dma_wait3A_35 = arith.constant 10160 : i32
    %dma_wait3A_36 = tpu.memref_slice %arg7[%dma_wait3A_35] : memref<10240xi32, #tpu.memory_space<vmem>> -> memref<80xi32, #tpu.memory_space<vmem>>
    %dma_wait3A_37 = arith.constant 0 : i32
    %dma_wait3A_38 = arith.constant 0 : i32
    %dma_wait3A_39 = tpu.memref_slice %arg2[%dma_wait3A_37, %dma_wait3A_38] : memref<20000x128xf32, #tpu.memory_space<hbm>> -> memref<20000x128xf32, #tpu.memory_space<hbm>>
    tpu.wait_indirect_dma semaphore(%arg13 : memref<!tpu.dma_semaphore, #tpu.memory_space<semaphore_mem>>) src(%dma_wait3A_39 : memref<20000x128xf32, #tpu.memory_space<hbm>>) dst(%arg10 : memref<80x128xf32, #tpu.memory_space<vmem>>)
    %dma_start3A_40 = arith.constant 127 : i32
    %dma_start3A_41 = arith.constant 0 : i32
    %dma_start3A_42 = tpu.memref_slice %arg8[%dma_start3A_40, %dma_start3A_41] : memref<128x80xi32, #tpu.memory_space<vmem>> -> memref<1x80xi32, #tpu.memory_space<vmem>>
    %dma_start3A_43 = tpu.memref_squeeze %dma_start3A_42 : memref<1x80xi32, #tpu.memory_space<vmem>> -> memref<80xi32, #tpu.memory_space<vmem>>
    %dma_start3A_44 = arith.constant 0 : i32
    %dma_start3A_45 = arith.constant 0 : i32
    %dma_start3A_46 = tpu.memref_slice %arg11[%dma_start3A_44, %dma_start3A_45] : memref<10240x128xf32, #tpu.memory_space<vmem_shared>> -> memref<10240x128xf32, #tpu.memory_space<vmem_shared>>
    tpu.enqueue_indirect_dma source(%arg10 : memref<80x128xf32, #tpu.memory_space<vmem>>) target(%dma_start3A_46 : memref<10240x128xf32, #tpu.memory_space<vmem_shared>>) offsets(%dma_start3A_43 : memref<80xi32, #tpu.memory_space<vmem>>) semaphore(%arg15 : memref<!tpu.dma_semaphore, #tpu.memory_space<semaphore_mem>>) {add = true}
    %dma_wait3A_47 = arith.constant 127 : i32
    %dma_wait3A_48 = arith.constant 0 : i32
    %dma_wait3A_49 = tpu.memref_slice %arg8[%dma_wait3A_47, %dma_wait3A_48] : memref<128x80xi32, #tpu.memory_space<vmem>> -> memref<1x80xi32, #tpu.memory_space<vmem>>
    %dma_wait3A_50 = tpu.memref_squeeze %dma_wait3A_49 : memref<1x80xi32, #tpu.memory_space<vmem>> -> memref<80xi32, #tpu.memory_space<vmem>>
    %dma_wait3A_51 = arith.constant 0 : i32
    %dma_wait3A_52 = arith.constant 0 : i32
    %dma_wait3A_53 = tpu.memref_slice %arg11[%dma_wait3A_51, %dma_wait3A_52] : memref<10240x128xf32, #tpu.memory_space<vmem_shared>> -> memref<10240x128xf32, #tpu.memory_space<vmem_shared>>
    tpu.wait_indirect_dma semaphore(%arg15 : memref<!tpu.dma_semaphore, #tpu.memory_space<semaphore_mem>>) src(%arg10 : memref<80x128xf32, #tpu.memory_space<vmem>>) dst(%dma_wait3A_53 : memref<10240x128xf32, #tpu.memory_space<vmem_shared>>)
    %barrier3A_54 = arith.constant 0 : index
    tpu.barrier barrier_id(%barrier3A_54)
    %mul3A_55 = arith.constant 640 : i32
    %mul3A_56 = arith.muli %arg1, %mul3A_55 : i32
    %mul3A_57 = arith.constant 640 : i32
    %mul3A_58 = arith.muli %arg1, %mul3A_57 : i32
    "tpu.region"() ({
      %run_scoped3A = tpu.sem_alloc : memref<!tpu.dma_semaphore, #tpu.memory_space<semaphore_mem>>
      %dma_start3A_59 = arith.constant 0 : i32
      %dma_start3A_60 = tpu.memref_slice %arg6[%arg0, %mul3A_58, %dma_start3A_59] : memref<2x10240x128xf32, #tpu.memory_space<hbm>> -> memref<1x640x128xf32, #tpu.memory_space<hbm>>
      %dma_start3A_61 = tpu.memref_squeeze %dma_start3A_60 : memref<1x640x128xf32, #tpu.memory_space<hbm>> -> memref<640x128xf32, #tpu.memory_space<hbm>>
      %dma_start3A_62 = arith.constant 0 : i32
      %dma_start3A_63 = tpu.memref_slice %arg11[%mul3A_56, %dma_start3A_62] : memref<10240x128xf32, #tpu.memory_space<vmem_shared>> -> memref<640x128xf32, #tpu.memory_space<vmem_shared>>
      tpu.enqueue_dma source(%dma_start3A_63 : memref<640x128xf32, #tpu.memory_space<vmem_shared>>) target(%dma_start3A_61 : memref<640x128xf32, #tpu.memory_space<hbm>>) target_semaphore(%run_scoped3A : memref<!tpu.dma_semaphore, #tpu.memory_space<semaphore_mem>>)
      %dma_wait3A_64 = arith.constant 0 : i32
      %dma_wait3A_65 = tpu.memref_slice %arg6[%arg0, %mul3A_58, %dma_wait3A_64] : memref<2x10240x128xf32, #tpu.memory_space<hbm>> -> memref<1x640x128xf32, #tpu.memory_space<hbm>>
      %dma_wait3A_66 = tpu.memref_squeeze %dma_wait3A_65 : memref<1x640x128xf32, #tpu.memory_space<hbm>> -> memref<640x128xf32, #tpu.memory_space<hbm>>
      %dma_wait3A_67 = arith.constant 0 : i32
      %dma_wait3A_68 = tpu.memref_slice %arg11[%mul3A_56, %dma_wait3A_67] : memref<10240x128xf32, #tpu.memory_space<vmem_shared>> -> memref<640x128xf32, #tpu.memory_space<vmem_shared>>
      tpu.wait_dma2 semaphore(%run_scoped3A : memref<!tpu.dma_semaphore, #tpu.memory_space<semaphore_mem>>) src(%dma_wait3A_68 : memref<640x128xf32, #tpu.memory_space<vmem_shared>>) dst(%dma_wait3A_66 : memref<640x128xf32, #tpu.memory_space<hbm>>)
      tpu.yield
    }) : () -> ()
    return
  }
}

#map = affine_map<(d0, d1) -> (0, 0, 0)>
#map1 = affine_map<(d0, d1) -> (0, 0)>
module attributes {stable_mosaic.version = 14 : i64} {
  func.func @_deg_body(%arg0: i32, %arg1: i32, %arg2: memref<32x40x128xi32, #tpu.memory_space<hbm>>, %arg3: memref<128x128xf32, #tpu.memory_space<hbm>>, %arg4: memref<640x128xf32, #tpu.memory_space<hbm>>, %arg5: memref<2x10240x128xf32, #tpu.memory_space<hbm>>, %arg6: memref<40x128xi32, #tpu.memory_space<vmem>>, %arg7: memref<128x128xf32, #tpu.memory_space<vmem>>, %arg8: memref<10240x128xf32, #tpu.memory_space<vmem_shared>>, %arg9: memref<!tpu.dma_semaphore, #tpu.memory_space<semaphore_mem>>) attributes {dimension_semantics = [#tpu.dimension_semantics<core_parallel>, #tpu.dimension_semantics<subcore_parallel>], iteration_bounds = array<i64: 2, 16>, scalar_prefetch = 0 : i64, scratch_operands = 4 : i64, tpu.core_type = #tpu.core_type<sc_vector_subcore>, window_params = [{transform_indices = #map}, {transform_indices = #map1}, {transform_indices = #map1}, {transform_indices = #map}]} {
    %mul3A = arith.constant 16 : i32
    %mul3A_0 = arith.muli %arg0, %mul3A : i32
    %add3A = arith.addi %mul3A_0, %arg1 : i32
    %mul3A_1 = arith.constant 640 : i32
    %mul3A_2 = arith.muli %arg1, %mul3A_1 : i32
    "tpu.region"() ({
      %run_scoped3A = tpu.sem_alloc : memref<!tpu.dma_semaphore, #tpu.memory_space<semaphore_mem>>
      %dma_start3A = arith.constant 0 : i32
      %dma_start3A_19 = tpu.memref_slice %arg8[%mul3A_2, %dma_start3A] : memref<10240x128xf32, #tpu.memory_space<vmem_shared>> -> memref<640x128xf32, #tpu.memory_space<vmem_shared>>
      tpu.enqueue_dma source(%arg4 : memref<640x128xf32, #tpu.memory_space<hbm>>) target(%dma_start3A_19 : memref<640x128xf32, #tpu.memory_space<vmem_shared>>) target_semaphore(%run_scoped3A : memref<!tpu.dma_semaphore, #tpu.memory_space<semaphore_mem>>)
      %dma_wait3A = arith.constant 0 : i32
      %dma_wait3A_20 = tpu.memref_slice %arg8[%mul3A_2, %dma_wait3A] : memref<10240x128xf32, #tpu.memory_space<vmem_shared>> -> memref<640x128xf32, #tpu.memory_space<vmem_shared>>
      tpu.wait_dma2 semaphore(%run_scoped3A : memref<!tpu.dma_semaphore, #tpu.memory_space<semaphore_mem>>) src(%arg4 : memref<640x128xf32, #tpu.memory_space<hbm>>) dst(%dma_wait3A_20 : memref<640x128xf32, #tpu.memory_space<vmem_shared>>)
      tpu.yield
    }) : () -> ()
    "tpu.region"() ({
      %run_scoped3A = tpu.sem_alloc : memref<!tpu.dma_semaphore, #tpu.memory_space<semaphore_mem>>
      tpu.enqueue_dma source(%arg3 : memref<128x128xf32, #tpu.memory_space<hbm>>) target(%arg7 : memref<128x128xf32, #tpu.memory_space<vmem>>) target_semaphore(%run_scoped3A : memref<!tpu.dma_semaphore, #tpu.memory_space<semaphore_mem>>)
      tpu.wait_dma2 semaphore(%run_scoped3A : memref<!tpu.dma_semaphore, #tpu.memory_space<semaphore_mem>>) src(%arg3 : memref<128x128xf32, #tpu.memory_space<hbm>>) dst(%arg7 : memref<128x128xf32, #tpu.memory_space<vmem>>)
      tpu.yield
    }) : () -> ()
    "tpu.region"() ({
      %run_scoped3A = tpu.sem_alloc : memref<!tpu.dma_semaphore, #tpu.memory_space<semaphore_mem>>
      %dma_start3A = arith.constant 0 : i32
      %dma_start3A_19 = arith.constant 0 : i32
      %dma_start3A_20 = tpu.memref_slice %arg2[%add3A, %dma_start3A, %dma_start3A_19] : memref<32x40x128xi32, #tpu.memory_space<hbm>> -> memref<1x40x128xi32, #tpu.memory_space<hbm>>
      %dma_start3A_21 = tpu.memref_squeeze %dma_start3A_20 : memref<1x40x128xi32, #tpu.memory_space<hbm>> -> memref<40x128xi32, #tpu.memory_space<hbm>>
      %dma_start3A_22 = arith.constant 0 : i32
      %dma_start3A_23 = arith.constant 0 : i32
      %dma_start3A_24 = tpu.memref_slice %arg2[%add3A, %dma_start3A_22, %dma_start3A_23] : memref<32x40x128xi32, #tpu.memory_space<hbm>> -> memref<1x40x128xi32, #tpu.memory_space<hbm>>
      %dma_start3A_25 = tpu.memref_squeeze %dma_start3A_24 : memref<1x40x128xi32, #tpu.memory_space<hbm>> -> memref<40x128xi32, #tpu.memory_space<hbm>>
      tpu.enqueue_dma source(%dma_start3A_25 : memref<40x128xi32, #tpu.memory_space<hbm>>) target(%arg6 : memref<40x128xi32, #tpu.memory_space<vmem>>) target_semaphore(%run_scoped3A : memref<!tpu.dma_semaphore, #tpu.memory_space<semaphore_mem>>)
      %dma_wait3A = arith.constant 0 : i32
      %dma_wait3A_26 = arith.constant 0 : i32
      %dma_wait3A_27 = tpu.memref_slice %arg2[%add3A, %dma_wait3A, %dma_wait3A_26] : memref<32x40x128xi32, #tpu.memory_space<hbm>> -> memref<1x40x128xi32, #tpu.memory_space<hbm>>
      %dma_wait3A_28 = tpu.memref_squeeze %dma_wait3A_27 : memref<1x40x128xi32, #tpu.memory_space<hbm>> -> memref<40x128xi32, #tpu.memory_space<hbm>>
      %dma_wait3A_29 = arith.constant 0 : i32
      %dma_wait3A_30 = arith.constant 0 : i32
      %dma_wait3A_31 = tpu.memref_slice %arg2[%add3A, %dma_wait3A_29, %dma_wait3A_30] : memref<32x40x128xi32, #tpu.memory_space<hbm>> -> memref<1x40x128xi32, #tpu.memory_space<hbm>>
      %dma_wait3A_32 = tpu.memref_squeeze %dma_wait3A_31 : memref<1x40x128xi32, #tpu.memory_space<hbm>> -> memref<40x128xi32, #tpu.memory_space<hbm>>
      tpu.wait_dma2 semaphore(%run_scoped3A : memref<!tpu.dma_semaphore, #tpu.memory_space<semaphore_mem>>) src(%dma_wait3A_32 : memref<40x128xi32, #tpu.memory_space<hbm>>) dst(%arg6 : memref<40x128xi32, #tpu.memory_space<vmem>>)
      tpu.yield
    }) : () -> ()
    %barrier3A = arith.constant 0 : index
    tpu.barrier barrier_id(%barrier3A)
    %scan3A = arith.constant 0 : i32
    %scan3A_3 = arith.constant 0 : i32
    %scan3A_4 = arith.constant 40 : i32
    %scan3A_5 = arith.addi %scan3A_3, %scan3A_4 : i32
    %scan3A_6 = arith.constant 1 : i32
    scf.for %scan3A_19 = %scan3A_3 to %scan3A_5 step %scan3A_6  : i32 {
      %dma_start3A = arith.constant 0 : i32
      %dma_start3A_20 = tpu.memref_slice %arg6[%scan3A_19, %dma_start3A] : memref<40x128xi32, #tpu.memory_space<vmem>> -> memref<1x128xi32, #tpu.memory_space<vmem>>
      %dma_start3A_21 = tpu.memref_squeeze %dma_start3A_20 : memref<1x128xi32, #tpu.memory_space<vmem>> -> memref<128xi32, #tpu.memory_space<vmem>>
      %dma_start3A_22 = arith.constant 0 : i32
      %dma_start3A_23 = arith.constant 0 : i32
      %dma_start3A_24 = tpu.memref_slice %arg8[%dma_start3A_22, %dma_start3A_23] : memref<10240x128xf32, #tpu.memory_space<vmem_shared>> -> memref<10240x128xf32, #tpu.memory_space<vmem_shared>>
      tpu.enqueue_indirect_dma source(%arg7 : memref<128x128xf32, #tpu.memory_space<vmem>>) target(%dma_start3A_24 : memref<10240x128xf32, #tpu.memory_space<vmem_shared>>) offsets(%dma_start3A_21 : memref<128xi32, #tpu.memory_space<vmem>>) semaphore(%arg9 : memref<!tpu.dma_semaphore, #tpu.memory_space<semaphore_mem>>) {add = true}
    }
    %scan3A_7 = arith.constant 40 : i32
    %scan3A_8 = arith.constant 0 : i32
    %scan3A_9 = arith.constant 0 : i32
    %scan3A_10 = arith.constant 40 : i32
    %scan3A_11 = arith.addi %scan3A_9, %scan3A_10 : i32
    %scan3A_12 = arith.constant 1 : i32
    scf.for %scan3A_19 = %scan3A_9 to %scan3A_11 step %scan3A_12  : i32 {
      %dma_wait3A = arith.constant 0 : i32
      %dma_wait3A_20 = arith.constant 0 : i32
      %dma_wait3A_21 = tpu.memref_slice %arg6[%dma_wait3A, %dma_wait3A_20] : memref<40x128xi32, #tpu.memory_space<vmem>> -> memref<1x128xi32, #tpu.memory_space<vmem>>
      %dma_wait3A_22 = tpu.memref_squeeze %dma_wait3A_21 : memref<1x128xi32, #tpu.memory_space<vmem>> -> memref<128xi32, #tpu.memory_space<vmem>>
      %dma_wait3A_23 = arith.constant 0 : i32
      %dma_wait3A_24 = arith.constant 0 : i32
      %dma_wait3A_25 = tpu.memref_slice %arg8[%dma_wait3A_23, %dma_wait3A_24] : memref<10240x128xf32, #tpu.memory_space<vmem_shared>> -> memref<10240x128xf32, #tpu.memory_space<vmem_shared>>
      tpu.wait_indirect_dma semaphore(%arg9 : memref<!tpu.dma_semaphore, #tpu.memory_space<semaphore_mem>>) src(%arg7 : memref<128x128xf32, #tpu.memory_space<vmem>>) dst(%dma_wait3A_25 : memref<10240x128xf32, #tpu.memory_space<vmem_shared>>)
    }
    %scan3A_13 = arith.constant 40 : i32
    %barrier3A_14 = arith.constant 0 : index
    tpu.barrier barrier_id(%barrier3A_14)
    %mul3A_15 = arith.constant 640 : i32
    %mul3A_16 = arith.muli %arg1, %mul3A_15 : i32
    %mul3A_17 = arith.constant 640 : i32
    %mul3A_18 = arith.muli %arg1, %mul3A_17 : i32
    "tpu.region"() ({
      %run_scoped3A = tpu.sem_alloc : memref<!tpu.dma_semaphore, #tpu.memory_space<semaphore_mem>>
      %dma_start3A = arith.constant 0 : i32
      %dma_start3A_19 = tpu.memref_slice %arg5[%arg0, %mul3A_18, %dma_start3A] : memref<2x10240x128xf32, #tpu.memory_space<hbm>> -> memref<1x640x128xf32, #tpu.memory_space<hbm>>
      %dma_start3A_20 = tpu.memref_squeeze %dma_start3A_19 : memref<1x640x128xf32, #tpu.memory_space<hbm>> -> memref<640x128xf32, #tpu.memory_space<hbm>>
      %dma_start3A_21 = arith.constant 0 : i32
      %dma_start3A_22 = tpu.memref_slice %arg8[%mul3A_16, %dma_start3A_21] : memref<10240x128xf32, #tpu.memory_space<vmem_shared>> -> memref<640x128xf32, #tpu.memory_space<vmem_shared>>
      tpu.enqueue_dma source(%dma_start3A_22 : memref<640x128xf32, #tpu.memory_space<vmem_shared>>) target(%dma_start3A_20 : memref<640x128xf32, #tpu.memory_space<hbm>>) target_semaphore(%run_scoped3A : memref<!tpu.dma_semaphore, #tpu.memory_space<semaphore_mem>>)
      %dma_wait3A = arith.constant 0 : i32
      %dma_wait3A_23 = tpu.memref_slice %arg5[%arg0, %mul3A_18, %dma_wait3A] : memref<2x10240x128xf32, #tpu.memory_space<hbm>> -> memref<1x640x128xf32, #tpu.memory_space<hbm>>
      %dma_wait3A_24 = tpu.memref_squeeze %dma_wait3A_23 : memref<1x640x128xf32, #tpu.memory_space<hbm>> -> memref<640x128xf32, #tpu.memory_space<hbm>>
      %dma_wait3A_25 = arith.constant 0 : i32
      %dma_wait3A_26 = tpu.memref_slice %arg8[%mul3A_16, %dma_wait3A_25] : memref<10240x128xf32, #tpu.memory_space<vmem_shared>> -> memref<640x128xf32, #tpu.memory_space<vmem_shared>>
      tpu.wait_dma2 semaphore(%run_scoped3A : memref<!tpu.dma_semaphore, #tpu.memory_space<semaphore_mem>>) src(%dma_wait3A_26 : memref<640x128xf32, #tpu.memory_space<vmem_shared>>) dst(%dma_wait3A_24 : memref<640x128xf32, #tpu.memory_space<hbm>>)
      tpu.yield
    }) : () -> ()
    return
  }
}

#map = affine_map<(d0, d1) -> (0, 0)>
#map1 = affine_map<(d0, d1) -> (0, 0, 0)>
module attributes {stable_mosaic.version = 14 : i64} {
  func.func @_agg_body(%arg0: i32, %arg1: i32, %arg2: memref<20000x128xf32, #tpu.memory_space<hbm>>, %arg3: memref<32x10240xi32, #tpu.memory_space<hbm>>, %arg4: memref<16x128x80xi32, #tpu.memory_space<hbm>>, %arg5: memref<640x128xf32, #tpu.memory_space<hbm>>, %arg6: memref<2x10240x128xf32, #tpu.memory_space<hbm>>, %arg7: memref<10240xi32, #tpu.memory_space<vmem>>, %arg8: memref<128x80xi32, #tpu.memory_space<vmem>>, %arg9: memref<80x128xf32, #tpu.memory_space<vmem>>, %arg10: memref<80x128xf32, #tpu.memory_space<vmem>>, %arg11: memref<10240x128xf32, #tpu.memory_space<vmem_shared>>, %arg12: memref<!tpu.dma_semaphore, #tpu.memory_space<semaphore_mem>>, %arg13: memref<!tpu.dma_semaphore, #tpu.memory_space<semaphore_mem>>, %arg14: memref<!tpu.dma_semaphore, #tpu.memory_space<semaphore_mem>>, %arg15: memref<!tpu.dma_semaphore, #tpu.memory_space<semaphore_mem>>) attributes {dimension_semantics = [#tpu.dimension_semantics<core_parallel>, #tpu.dimension_semantics<subcore_parallel>], iteration_bounds = array<i64: 2, 16>, scalar_prefetch = 0 : i64, scratch_operands = 9 : i64, tpu.core_type = #tpu.core_type<sc_vector_subcore>, window_params = [{transform_indices = #map}, {transform_indices = #map}, {transform_indices = #map1}, {transform_indices = #map}, {transform_indices = #map1}]} {
    %mul3A = arith.constant 16 : i32
    %mul3A_0 = arith.muli %arg0, %mul3A : i32
    %add3A = arith.addi %mul3A_0, %arg1 : i32
    %mul3A_1 = arith.constant 640 : i32
    %mul3A_2 = arith.muli %arg1, %mul3A_1 : i32
    "tpu.region"() ({
      %run_scoped3A = tpu.sem_alloc : memref<!tpu.dma_semaphore, #tpu.memory_space<semaphore_mem>>
      %dma_start3A_59 = arith.constant 0 : i32
      %dma_start3A_60 = tpu.memref_slice %arg11[%mul3A_2, %dma_start3A_59] : memref<10240x128xf32, #tpu.memory_space<vmem_shared>> -> memref<640x128xf32, #tpu.memory_space<vmem_shared>>
      tpu.enqueue_dma source(%arg5 : memref<640x128xf32, #tpu.memory_space<hbm>>) target(%dma_start3A_60 : memref<640x128xf32, #tpu.memory_space<vmem_shared>>) target_semaphore(%run_scoped3A : memref<!tpu.dma_semaphore, #tpu.memory_space<semaphore_mem>>)
      %dma_wait3A_61 = arith.constant 0 : i32
      %dma_wait3A_62 = tpu.memref_slice %arg11[%mul3A_2, %dma_wait3A_61] : memref<10240x128xf32, #tpu.memory_space<vmem_shared>> -> memref<640x128xf32, #tpu.memory_space<vmem_shared>>
      tpu.wait_dma2 semaphore(%run_scoped3A : memref<!tpu.dma_semaphore, #tpu.memory_space<semaphore_mem>>) src(%arg5 : memref<640x128xf32, #tpu.memory_space<hbm>>) dst(%dma_wait3A_62 : memref<640x128xf32, #tpu.memory_space<vmem_shared>>)
      tpu.yield
    }) : () -> ()
    "tpu.region"() ({
      %run_scoped3A = tpu.sem_alloc : memref<!tpu.dma_semaphore, #tpu.memory_space<semaphore_mem>>
      %dma_start3A_59 = arith.constant 0 : i32
      %dma_start3A_60 = tpu.memref_slice %arg3[%add3A, %dma_start3A_59] : memref<32x10240xi32, #tpu.memory_space<hbm>> -> memref<1x10240xi32, #tpu.memory_space<hbm>>
      %dma_start3A_61 = tpu.memref_squeeze %dma_start3A_60 : memref<1x10240xi32, #tpu.memory_space<hbm>> -> memref<10240xi32, #tpu.memory_space<hbm>>
      %dma_start3A_62 = arith.constant 0 : i32
      %dma_start3A_63 = tpu.memref_slice %arg3[%add3A, %dma_start3A_62] : memref<32x10240xi32, #tpu.memory_space<hbm>> -> memref<1x10240xi32, #tpu.memory_space<hbm>>
      %dma_start3A_64 = tpu.memref_squeeze %dma_start3A_63 : memref<1x10240xi32, #tpu.memory_space<hbm>> -> memref<10240xi32, #tpu.memory_space<hbm>>
      tpu.enqueue_dma source(%dma_start3A_64 : memref<10240xi32, #tpu.memory_space<hbm>>) target(%arg7 : memref<10240xi32, #tpu.memory_space<vmem>>) target_semaphore(%run_scoped3A : memref<!tpu.dma_semaphore, #tpu.memory_space<semaphore_mem>>)
      %dma_wait3A_65 = arith.constant 0 : i32
      %dma_wait3A_66 = tpu.memref_slice %arg3[%add3A, %dma_wait3A_65] : memref<32x10240xi32, #tpu.memory_space<hbm>> -> memref<1x10240xi32, #tpu.memory_space<hbm>>
      %dma_wait3A_67 = tpu.memref_squeeze %dma_wait3A_66 : memref<1x10240xi32, #tpu.memory_space<hbm>> -> memref<10240xi32, #tpu.memory_space<hbm>>
      %dma_wait3A_68 = arith.constant 0 : i32
      %dma_wait3A_69 = tpu.memref_slice %arg3[%add3A, %dma_wait3A_68] : memref<32x10240xi32, #tpu.memory_space<hbm>> -> memref<1x10240xi32, #tpu.memory_space<hbm>>
      %dma_wait3A_70 = tpu.memref_squeeze %dma_wait3A_69 : memref<1x10240xi32, #tpu.memory_space<hbm>> -> memref<10240xi32, #tpu.memory_space<hbm>>
      tpu.wait_dma2 semaphore(%run_scoped3A : memref<!tpu.dma_semaphore, #tpu.memory_space<semaphore_mem>>) src(%dma_wait3A_70 : memref<10240xi32, #tpu.memory_space<hbm>>) dst(%arg7 : memref<10240xi32, #tpu.memory_space<vmem>>)
      tpu.yield
    }) : () -> ()
    "tpu.region"() ({
      %run_scoped3A = tpu.sem_alloc : memref<!tpu.dma_semaphore, #tpu.memory_space<semaphore_mem>>
      %dma_start3A_59 = arith.constant 0 : i32
      %dma_start3A_60 = arith.constant 0 : i32
      %dma_start3A_61 = tpu.memref_slice %arg4[%arg1, %dma_start3A_59, %dma_start3A_60] : memref<16x128x80xi32, #tpu.memory_space<hbm>> -> memref<1x128x80xi32, #tpu.memory_space<hbm>>
      %dma_start3A_62 = tpu.memref_squeeze %dma_start3A_61 : memref<1x128x80xi32, #tpu.memory_space<hbm>> -> memref<128x80xi32, #tpu.memory_space<hbm>>
      %dma_start3A_63 = arith.constant 0 : i32
      %dma_start3A_64 = arith.constant 0 : i32
      %dma_start3A_65 = tpu.memref_slice %arg4[%arg1, %dma_start3A_63, %dma_start3A_64] : memref<16x128x80xi32, #tpu.memory_space<hbm>> -> memref<1x128x80xi32, #tpu.memory_space<hbm>>
      %dma_start3A_66 = tpu.memref_squeeze %dma_start3A_65 : memref<1x128x80xi32, #tpu.memory_space<hbm>> -> memref<128x80xi32, #tpu.memory_space<hbm>>
      tpu.enqueue_dma source(%dma_start3A_66 : memref<128x80xi32, #tpu.memory_space<hbm>>) target(%arg8 : memref<128x80xi32, #tpu.memory_space<vmem>>) target_semaphore(%run_scoped3A : memref<!tpu.dma_semaphore, #tpu.memory_space<semaphore_mem>>)
      %dma_wait3A_67 = arith.constant 0 : i32
      %dma_wait3A_68 = arith.constant 0 : i32
      %dma_wait3A_69 = tpu.memref_slice %arg4[%arg1, %dma_wait3A_67, %dma_wait3A_68] : memref<16x128x80xi32, #tpu.memory_space<hbm>> -> memref<1x128x80xi32, #tpu.memory_space<hbm>>
      %dma_wait3A_70 = tpu.memref_squeeze %dma_wait3A_69 : memref<1x128x80xi32, #tpu.memory_space<hbm>> -> memref<128x80xi32, #tpu.memory_space<hbm>>
      %dma_wait3A_71 = arith.constant 0 : i32
      %dma_wait3A_72 = arith.constant 0 : i32
      %dma_wait3A_73 = tpu.memref_slice %arg4[%arg1, %dma_wait3A_71, %dma_wait3A_72] : memref<16x128x80xi32, #tpu.memory_space<hbm>> -> memref<1x128x80xi32, #tpu.memory_space<hbm>>
      %dma_wait3A_74 = tpu.memref_squeeze %dma_wait3A_73 : memref<1x128x80xi32, #tpu.memory_space<hbm>> -> memref<128x80xi32, #tpu.memory_space<hbm>>
      tpu.wait_dma2 semaphore(%run_scoped3A : memref<!tpu.dma_semaphore, #tpu.memory_space<semaphore_mem>>) src(%dma_wait3A_74 : memref<128x80xi32, #tpu.memory_space<hbm>>) dst(%arg8 : memref<128x80xi32, #tpu.memory_space<vmem>>)
      tpu.yield
    }) : () -> ()
    %barrier3A = arith.constant 0 : index
    tpu.barrier barrier_id(%barrier3A)
    %dma_start3A = arith.constant 0 : i32
    %dma_start3A_3 = tpu.memref_slice %arg7[%dma_start3A] : memref<10240xi32, #tpu.memory_space<vmem>> -> memref<80xi32, #tpu.memory_space<vmem>>
    %dma_start3A_4 = arith.constant 0 : i32
    %dma_start3A_5 = arith.constant 0 : i32
    %dma_start3A_6 = tpu.memref_slice %arg2[%dma_start3A_4, %dma_start3A_5] : memref<20000x128xf32, #tpu.memory_space<hbm>> -> memref<20000x128xf32, #tpu.memory_space<hbm>>
    tpu.enqueue_indirect_dma source(%dma_start3A_6 : memref<20000x128xf32, #tpu.memory_space<hbm>>) target(%arg9 : memref<80x128xf32, #tpu.memory_space<vmem>>) offsets(%dma_start3A_3 : memref<80xi32, #tpu.memory_space<vmem>>) semaphore(%arg12 : memref<!tpu.dma_semaphore, #tpu.memory_space<semaphore_mem>>)
    %dma_start3A_7 = arith.constant 80 : i32
    %dma_start3A_8 = tpu.memref_slice %arg7[%dma_start3A_7] : memref<10240xi32, #tpu.memory_space<vmem>> -> memref<80xi32, #tpu.memory_space<vmem>>
    %dma_start3A_9 = arith.constant 0 : i32
    %dma_start3A_10 = arith.constant 0 : i32
    %dma_start3A_11 = tpu.memref_slice %arg2[%dma_start3A_9, %dma_start3A_10] : memref<20000x128xf32, #tpu.memory_space<hbm>> -> memref<20000x128xf32, #tpu.memory_space<hbm>>
    tpu.enqueue_indirect_dma source(%dma_start3A_11 : memref<20000x128xf32, #tpu.memory_space<hbm>>) target(%arg10 : memref<80x128xf32, #tpu.memory_space<vmem>>) offsets(%dma_start3A_8 : memref<80xi32, #tpu.memory_space<vmem>>) semaphore(%arg13 : memref<!tpu.dma_semaphore, #tpu.memory_space<semaphore_mem>>)
    %scan3A = arith.constant 0 : i32
    %scan3A_12 = arith.constant 0 : i32
    %scan3A_13 = arith.constant 63 : i32
    %scan3A_14 = arith.addi %scan3A_12, %scan3A_13 : i32
    %scan3A_15 = arith.constant 1 : i32
    scf.for %scan3A_59 = %scan3A_12 to %scan3A_14 step %scan3A_15  : i32 {
      %mul3A_60 = arith.constant 2 : i32
      %mul3A_61 = arith.muli %scan3A_59, %mul3A_60 : i32
      %add3A_62 = arith.constant 0 : i32
      %add3A_63 = arith.addi %mul3A_61, %add3A_62 : i32
      %mul3A_64 = arith.constant 80 : i32
      %mul3A_65 = arith.muli %add3A_63, %mul3A_64 : i32
      %dma_wait3A_66 = tpu.memref_slice %arg7[%mul3A_65] : memref<10240xi32, #tpu.memory_space<vmem>> -> memref<80xi32, #tpu.memory_space<vmem>>
      %dma_wait3A_67 = arith.constant 0 : i32
      %dma_wait3A_68 = arith.constant 0 : i32
      %dma_wait3A_69 = tpu.memref_slice %arg2[%dma_wait3A_67, %dma_wait3A_68] : memref<20000x128xf32, #tpu.memory_space<hbm>> -> memref<20000x128xf32, #tpu.memory_space<hbm>>
      tpu.wait_indirect_dma semaphore(%arg12 : memref<!tpu.dma_semaphore, #tpu.memory_space<semaphore_mem>>) src(%dma_wait3A_69 : memref<20000x128xf32, #tpu.memory_space<hbm>>) dst(%arg9 : memref<80x128xf32, #tpu.memory_space<vmem>>)
      %dma_start3A_70 = arith.constant 0 : i32
      %dma_start3A_71 = tpu.memref_slice %arg8[%add3A_63, %dma_start3A_70] : memref<128x80xi32, #tpu.memory_space<vmem>> -> memref<1x80xi32, #tpu.memory_space<vmem>>
      %dma_start3A_72 = tpu.memref_squeeze %dma_start3A_71 : memref<1x80xi32, #tpu.memory_space<vmem>> -> memref<80xi32, #tpu.memory_space<vmem>>
      %dma_start3A_73 = arith.constant 0 : i32
      %dma_start3A_74 = arith.constant 0 : i32
      %dma_start3A_75 = tpu.memref_slice %arg11[%dma_start3A_73, %dma_start3A_74] : memref<10240x128xf32, #tpu.memory_space<vmem_shared>> -> memref<10240x128xf32, #tpu.memory_space<vmem_shared>>
      tpu.enqueue_indirect_dma source(%arg9 : memref<80x128xf32, #tpu.memory_space<vmem>>) target(%dma_start3A_75 : memref<10240x128xf32, #tpu.memory_space<vmem_shared>>) offsets(%dma_start3A_72 : memref<80xi32, #tpu.memory_space<vmem>>) semaphore(%arg14 : memref<!tpu.dma_semaphore, #tpu.memory_space<semaphore_mem>>) {add = true}
      %dma_wait3A_76 = arith.constant 0 : i32
      %dma_wait3A_77 = tpu.memref_slice %arg8[%add3A_63, %dma_wait3A_76] : memref<128x80xi32, #tpu.memory_space<vmem>> -> memref<1x80xi32, #tpu.memory_space<vmem>>
      %dma_wait3A_78 = tpu.memref_squeeze %dma_wait3A_77 : memref<1x80xi32, #tpu.memory_space<vmem>> -> memref<80xi32, #tpu.memory_space<vmem>>
      %dma_wait3A_79 = arith.constant 0 : i32
      %dma_wait3A_80 = arith.constant 0 : i32
      %dma_wait3A_81 = tpu.memref_slice %arg11[%dma_wait3A_79, %dma_wait3A_80] : memref<10240x128xf32, #tpu.memory_space<vmem_shared>> -> memref<10240x128xf32, #tpu.memory_space<vmem_shared>>
      tpu.wait_indirect_dma semaphore(%arg14 : memref<!tpu.dma_semaphore, #tpu.memory_space<semaphore_mem>>) src(%arg9 : memref<80x128xf32, #tpu.memory_space<vmem>>) dst(%dma_wait3A_81 : memref<10240x128xf32, #tpu.memory_space<vmem_shared>>)
      %add3A_82 = arith.constant 2 : i32
      %add3A_83 = arith.addi %add3A_63, %add3A_82 : i32
      %mul3A_84 = arith.constant 80 : i32
      %mul3A_85 = arith.muli %add3A_83, %mul3A_84 : i32
      %dma_start3A_86 = tpu.memref_slice %arg7[%mul3A_85] : memref<10240xi32, #tpu.memory_space<vmem>> -> memref<80xi32, #tpu.memory_space<vmem>>
      %dma_start3A_87 = arith.constant 0 : i32
      %dma_start3A_88 = arith.constant 0 : i32
      %dma_start3A_89 = tpu.memref_slice %arg2[%dma_start3A_87, %dma_start3A_88] : memref<20000x128xf32, #tpu.memory_space<hbm>> -> memref<20000x128xf32, #tpu.memory_space<hbm>>
      tpu.enqueue_indirect_dma source(%dma_start3A_89 : memref<20000x128xf32, #tpu.memory_space<hbm>>) target(%arg9 : memref<80x128xf32, #tpu.memory_space<vmem>>) offsets(%dma_start3A_86 : memref<80xi32, #tpu.memory_space<vmem>>) semaphore(%arg12 : memref<!tpu.dma_semaphore, #tpu.memory_space<semaphore_mem>>)
      %mul3A_90 = arith.constant 2 : i32
      %mul3A_91 = arith.muli %scan3A_59, %mul3A_90 : i32
      %add3A_92 = arith.constant 1 : i32
      %add3A_93 = arith.addi %mul3A_91, %add3A_92 : i32
      %mul3A_94 = arith.constant 80 : i32
      %mul3A_95 = arith.muli %add3A_93, %mul3A_94 : i32
      %dma_wait3A_96 = tpu.memref_slice %arg7[%mul3A_95] : memref<10240xi32, #tpu.memory_space<vmem>> -> memref<80xi32, #tpu.memory_space<vmem>>
      %dma_wait3A_97 = arith.constant 0 : i32
      %dma_wait3A_98 = arith.constant 0 : i32
      %dma_wait3A_99 = tpu.memref_slice %arg2[%dma_wait3A_97, %dma_wait3A_98] : memref<20000x128xf32, #tpu.memory_space<hbm>> -> memref<20000x128xf32, #tpu.memory_space<hbm>>
      tpu.wait_indirect_dma semaphore(%arg13 : memref<!tpu.dma_semaphore, #tpu.memory_space<semaphore_mem>>) src(%dma_wait3A_99 : memref<20000x128xf32, #tpu.memory_space<hbm>>) dst(%arg10 : memref<80x128xf32, #tpu.memory_space<vmem>>)
      %dma_start3A_100 = arith.constant 0 : i32
      %dma_start3A_101 = tpu.memref_slice %arg8[%add3A_93, %dma_start3A_100] : memref<128x80xi32, #tpu.memory_space<vmem>> -> memref<1x80xi32, #tpu.memory_space<vmem>>
      %dma_start3A_102 = tpu.memref_squeeze %dma_start3A_101 : memref<1x80xi32, #tpu.memory_space<vmem>> -> memref<80xi32, #tpu.memory_space<vmem>>
      %dma_start3A_103 = arith.constant 0 : i32
      %dma_start3A_104 = arith.constant 0 : i32
      %dma_start3A_105 = tpu.memref_slice %arg11[%dma_start3A_103, %dma_start3A_104] : memref<10240x128xf32, #tpu.memory_space<vmem_shared>> -> memref<10240x128xf32, #tpu.memory_space<vmem_shared>>
      tpu.enqueue_indirect_dma source(%arg10 : memref<80x128xf32, #tpu.memory_space<vmem>>) target(%dma_start3A_105 : memref<10240x128xf32, #tpu.memory_space<vmem_shared>>) offsets(%dma_start3A_102 : memref<80xi32, #tpu.memory_space<vmem>>) semaphore(%arg15 : memref<!tpu.dma_semaphore, #tpu.memory_space<semaphore_mem>>) {add = true}
      %dma_wait3A_106 = arith.constant 0 : i32
      %dma_wait3A_107 = tpu.memref_slice %arg8[%add3A_93, %dma_wait3A_106] : memref<128x80xi32, #tpu.memory_space<vmem>> -> memref<1x80xi32, #tpu.memory_space<vmem>>
      %dma_wait3A_108 = tpu.memref_squeeze %dma_wait3A_107 : memref<1x80xi32, #tpu.memory_space<vmem>> -> memref<80xi32, #tpu.memory_space<vmem>>
      %dma_wait3A_109 = arith.constant 0 : i32
      %dma_wait3A_110 = arith.constant 0 : i32
      %dma_wait3A_111 = tpu.memref_slice %arg11[%dma_wait3A_109, %dma_wait3A_110] : memref<10240x128xf32, #tpu.memory_space<vmem_shared>> -> memref<10240x128xf32, #tpu.memory_space<vmem_shared>>
      tpu.wait_indirect_dma semaphore(%arg15 : memref<!tpu.dma_semaphore, #tpu.memory_space<semaphore_mem>>) src(%arg10 : memref<80x128xf32, #tpu.memory_space<vmem>>) dst(%dma_wait3A_111 : memref<10240x128xf32, #tpu.memory_space<vmem_shared>>)
      %add3A_112 = arith.constant 2 : i32
      %add3A_113 = arith.addi %add3A_93, %add3A_112 : i32
      %mul3A_114 = arith.constant 80 : i32
      %mul3A_115 = arith.muli %add3A_113, %mul3A_114 : i32
      %dma_start3A_116 = tpu.memref_slice %arg7[%mul3A_115] : memref<10240xi32, #tpu.memory_space<vmem>> -> memref<80xi32, #tpu.memory_space<vmem>>
      %dma_start3A_117 = arith.constant 0 : i32
      %dma_start3A_118 = arith.constant 0 : i32
      %dma_start3A_119 = tpu.memref_slice %arg2[%dma_start3A_117, %dma_start3A_118] : memref<20000x128xf32, #tpu.memory_space<hbm>> -> memref<20000x128xf32, #tpu.memory_space<hbm>>
      tpu.enqueue_indirect_dma source(%dma_start3A_119 : memref<20000x128xf32, #tpu.memory_space<hbm>>) target(%arg10 : memref<80x128xf32, #tpu.memory_space<vmem>>) offsets(%dma_start3A_116 : memref<80xi32, #tpu.memory_space<vmem>>) semaphore(%arg13 : memref<!tpu.dma_semaphore, #tpu.memory_space<semaphore_mem>>)
    }
    %scan3A_16 = arith.constant 63 : i32
    %dma_wait3A = arith.constant 10080 : i32
    %dma_wait3A_17 = tpu.memref_slice %arg7[%dma_wait3A] : memref<10240xi32, #tpu.memory_space<vmem>> -> memref<80xi32, #tpu.memory_space<vmem>>
    %dma_wait3A_18 = arith.constant 0 : i32
    %dma_wait3A_19 = arith.constant 0 : i32
    %dma_wait3A_20 = tpu.memref_slice %arg2[%dma_wait3A_18, %dma_wait3A_19] : memref<20000x128xf32, #tpu.memory_space<hbm>> -> memref<20000x128xf32, #tpu.memory_space<hbm>>
    tpu.wait_indirect_dma semaphore(%arg12 : memref<!tpu.dma_semaphore, #tpu.memory_space<semaphore_mem>>) src(%dma_wait3A_20 : memref<20000x128xf32, #tpu.memory_space<hbm>>) dst(%arg9 : memref<80x128xf32, #tpu.memory_space<vmem>>)
    %dma_start3A_21 = arith.constant 126 : i32
    %dma_start3A_22 = arith.constant 0 : i32
    %dma_start3A_23 = tpu.memref_slice %arg8[%dma_start3A_21, %dma_start3A_22] : memref<128x80xi32, #tpu.memory_space<vmem>> -> memref<1x80xi32, #tpu.memory_space<vmem>>
    %dma_start3A_24 = tpu.memref_squeeze %dma_start3A_23 : memref<1x80xi32, #tpu.memory_space<vmem>> -> memref<80xi32, #tpu.memory_space<vmem>>
    %dma_start3A_25 = arith.constant 0 : i32
    %dma_start3A_26 = arith.constant 0 : i32
    %dma_start3A_27 = tpu.memref_slice %arg11[%dma_start3A_25, %dma_start3A_26] : memref<10240x128xf32, #tpu.memory_space<vmem_shared>> -> memref<10240x128xf32, #tpu.memory_space<vmem_shared>>
    tpu.enqueue_indirect_dma source(%arg9 : memref<80x128xf32, #tpu.memory_space<vmem>>) target(%dma_start3A_27 : memref<10240x128xf32, #tpu.memory_space<vmem_shared>>) offsets(%dma_start3A_24 : memref<80xi32, #tpu.memory_space<vmem>>) semaphore(%arg14 : memref<!tpu.dma_semaphore, #tpu.memory_space<semaphore_mem>>) {add = true}
    %dma_wait3A_28 = arith.constant 126 : i32
    %dma_wait3A_29 = arith.constant 0 : i32
    %dma_wait3A_30 = tpu.memref_slice %arg8[%dma_wait3A_28, %dma_wait3A_29] : memref<128x80xi32, #tpu.memory_space<vmem>> -> memref<1x80xi32, #tpu.memory_space<vmem>>
    %dma_wait3A_31 = tpu.memref_squeeze %dma_wait3A_30 : memref<1x80xi32, #tpu.memory_space<vmem>> -> memref<80xi32, #tpu.memory_space<vmem>>
    %dma_wait3A_32 = arith.constant 0 : i32
    %dma_wait3A_33 = arith.constant 0 : i32
    %dma_wait3A_34 = tpu.memref_slice %arg11[%dma_wait3A_32, %dma_wait3A_33] : memref<10240x128xf32, #tpu.memory_space<vmem_shared>> -> memref<10240x128xf32, #tpu.memory_space<vmem_shared>>
    tpu.wait_indirect_dma semaphore(%arg14 : memref<!tpu.dma_semaphore, #tpu.memory_space<semaphore_mem>>) src(%arg9 : memref<80x128xf32, #tpu.memory_space<vmem>>) dst(%dma_wait3A_34 : memref<10240x128xf32, #tpu.memory_space<vmem_shared>>)
    %dma_wait3A_35 = arith.constant 10160 : i32
    %dma_wait3A_36 = tpu.memref_slice %arg7[%dma_wait3A_35] : memref<10240xi32, #tpu.memory_space<vmem>> -> memref<80xi32, #tpu.memory_space<vmem>>
    %dma_wait3A_37 = arith.constant 0 : i32
    %dma_wait3A_38 = arith.constant 0 : i32
    %dma_wait3A_39 = tpu.memref_slice %arg2[%dma_wait3A_37, %dma_wait3A_38] : memref<20000x128xf32, #tpu.memory_space<hbm>> -> memref<20000x128xf32, #tpu.memory_space<hbm>>
    tpu.wait_indirect_dma semaphore(%arg13 : memref<!tpu.dma_semaphore, #tpu.memory_space<semaphore_mem>>) src(%dma_wait3A_39 : memref<20000x128xf32, #tpu.memory_space<hbm>>) dst(%arg10 : memref<80x128xf32, #tpu.memory_space<vmem>>)
    %dma_start3A_40 = arith.constant 127 : i32
    %dma_start3A_41 = arith.constant 0 : i32
    %dma_start3A_42 = tpu.memref_slice %arg8[%dma_start3A_40, %dma_start3A_41] : memref<128x80xi32, #tpu.memory_space<vmem>> -> memref<1x80xi32, #tpu.memory_space<vmem>>
    %dma_start3A_43 = tpu.memref_squeeze %dma_start3A_42 : memref<1x80xi32, #tpu.memory_space<vmem>> -> memref<80xi32, #tpu.memory_space<vmem>>
    %dma_start3A_44 = arith.constant 0 : i32
    %dma_start3A_45 = arith.constant 0 : i32
    %dma_start3A_46 = tpu.memref_slice %arg11[%dma_start3A_44, %dma_start3A_45] : memref<10240x128xf32, #tpu.memory_space<vmem_shared>> -> memref<10240x128xf32, #tpu.memory_space<vmem_shared>>
    tpu.enqueue_indirect_dma source(%arg10 : memref<80x128xf32, #tpu.memory_space<vmem>>) target(%dma_start3A_46 : memref<10240x128xf32, #tpu.memory_space<vmem_shared>>) offsets(%dma_start3A_43 : memref<80xi32, #tpu.memory_space<vmem>>) semaphore(%arg15 : memref<!tpu.dma_semaphore, #tpu.memory_space<semaphore_mem>>) {add = true}
    %dma_wait3A_47 = arith.constant 127 : i32
    %dma_wait3A_48 = arith.constant 0 : i32
    %dma_wait3A_49 = tpu.memref_slice %arg8[%dma_wait3A_47, %dma_wait3A_48] : memref<128x80xi32, #tpu.memory_space<vmem>> -> memref<1x80xi32, #tpu.memory_space<vmem>>
    %dma_wait3A_50 = tpu.memref_squeeze %dma_wait3A_49 : memref<1x80xi32, #tpu.memory_space<vmem>> -> memref<80xi32, #tpu.memory_space<vmem>>
    %dma_wait3A_51 = arith.constant 0 : i32
    %dma_wait3A_52 = arith.constant 0 : i32
    %dma_wait3A_53 = tpu.memref_slice %arg11[%dma_wait3A_51, %dma_wait3A_52] : memref<10240x128xf32, #tpu.memory_space<vmem_shared>> -> memref<10240x128xf32, #tpu.memory_space<vmem_shared>>
    tpu.wait_indirect_dma semaphore(%arg15 : memref<!tpu.dma_semaphore, #tpu.memory_space<semaphore_mem>>) src(%arg10 : memref<80x128xf32, #tpu.memory_space<vmem>>) dst(%dma_wait3A_53 : memref<10240x128xf32, #tpu.memory_space<vmem_shared>>)
    %barrier3A_54 = arith.constant 0 : index
    tpu.barrier barrier_id(%barrier3A_54)
    %mul3A_55 = arith.constant 640 : i32
    %mul3A_56 = arith.muli %arg1, %mul3A_55 : i32
    %mul3A_57 = arith.constant 640 : i32
    %mul3A_58 = arith.muli %arg1, %mul3A_57 : i32
    "tpu.region"() ({
      %run_scoped3A = tpu.sem_alloc : memref<!tpu.dma_semaphore, #tpu.memory_space<semaphore_mem>>
      %dma_start3A_59 = arith.constant 0 : i32
      %dma_start3A_60 = tpu.memref_slice %arg6[%arg0, %mul3A_58, %dma_start3A_59] : memref<2x10240x128xf32, #tpu.memory_space<hbm>> -> memref<1x640x128xf32, #tpu.memory_space<hbm>>
      %dma_start3A_61 = tpu.memref_squeeze %dma_start3A_60 : memref<1x640x128xf32, #tpu.memory_space<hbm>> -> memref<640x128xf32, #tpu.memory_space<hbm>>
      %dma_start3A_62 = arith.constant 0 : i32
      %dma_start3A_63 = tpu.memref_slice %arg11[%mul3A_56, %dma_start3A_62] : memref<10240x128xf32, #tpu.memory_space<vmem_shared>> -> memref<640x128xf32, #tpu.memory_space<vmem_shared>>
      tpu.enqueue_dma source(%dma_start3A_63 : memref<640x128xf32, #tpu.memory_space<vmem_shared>>) target(%dma_start3A_61 : memref<640x128xf32, #tpu.memory_space<hbm>>) target_semaphore(%run_scoped3A : memref<!tpu.dma_semaphore, #tpu.memory_space<semaphore_mem>>)
      %dma_wait3A_64 = arith.constant 0 : i32
      %dma_wait3A_65 = tpu.memref_slice %arg6[%arg0, %mul3A_58, %dma_wait3A_64] : memref<2x10240x128xf32, #tpu.memory_space<hbm>> -> memref<1x640x128xf32, #tpu.memory_space<hbm>>
      %dma_wait3A_66 = tpu.memref_squeeze %dma_wait3A_65 : memref<1x640x128xf32, #tpu.memory_space<hbm>> -> memref<640x128xf32, #tpu.memory_space<hbm>>
      %dma_wait3A_67 = arith.constant 0 : i32
      %dma_wait3A_68 = tpu.memref_slice %arg11[%mul3A_56, %dma_wait3A_67] : memref<10240x128xf32, #tpu.memory_space<vmem_shared>> -> memref<640x128xf32, #tpu.memory_space<vmem_shared>>
      tpu.wait_dma2 semaphore(%run_scoped3A : memref<!tpu.dma_semaphore, #tpu.memory_space<semaphore_mem>>) src(%dma_wait3A_68 : memref<640x128xf32, #tpu.memory_space<vmem_shared>>) dst(%dma_wait3A_66 : memref<640x128xf32, #tpu.memory_space<hbm>>)
      tpu.yield
    }) : () -> ()
    return
  }
}

module attributes {stable_mosaic.version = 14 : i64} {
  func.func @_scale_body(%arg0: i32, %arg1: memref<2x2000x128xf32, #tpu.memory_space<vmem>>, %arg2: memref<2000x256xf32, #tpu.memory_space<vmem>>, %arg3: memref<2x2000x128xf32, #tpu.memory_space<vmem>>) attributes {dimension_semantics = [#tpu.dimension_semantics<arbitrary>], iteration_bounds = array<i64: 5>, scalar_prefetch = 0 : i64, scratch_operands = 0 : i64, tpu.core_type = #tpu.core_type<tc>, window_params = [{transform_indices = @transform_0, window_bounds = array<i64: 2, 2000, 128>}, {transform_indices = @transform_1, window_bounds = array<i64: 2000, 256>}, {transform_indices = @transform_2, window_bounds = array<i64: 2, 2000, 128>}]} {
    %get3A = arith.constant 0 : index
    %get3A_0 = arith.constant 0 : index
    %get3A_1 = vector.load %arg2[%get3A, %get3A_0] : memref<2000x256xf32, #tpu.memory_space<vmem>>, vector<2000x256xf32>
    %get3A_2 = arith.constant 0 : index
    %get3A_3 = arith.constant 0 : index
    %get3A_4 = arith.constant 0 : index
    %get3A_5 = vector.load %arg1[%get3A_2, %get3A_3, %get3A_4] : memref<2x2000x128xf32, #tpu.memory_space<vmem>>, vector<2x2000x128xf32>
    %slice3A = vector.extract_strided_slice %get3A_5 {offsets = [0, 0, 0], sizes = [1, 2000, 1], strides = [1, 1, 1]} : vector<2x2000x128xf32> to vector<1x2000x1xf32>
    %squeeze3A = vector.shape_cast %slice3A : vector<1x2000x1xf32> to vector<2000x1xf32>
    %slice3A_6 = vector.extract_strided_slice %get3A_5 {offsets = [1, 0, 0], sizes = [1, 2000, 1], strides = [1, 1, 1]} : vector<2x2000x128xf32> to vector<1x2000x1xf32>
    %squeeze3A_7 = vector.shape_cast %slice3A_6 : vector<1x2000x1xf32> to vector<2000x1xf32>
    %add3A = arith.addf %squeeze3A, %squeeze3A_7 : vector<2000x1xf32>
    %add3A_8 = arith.constant 1.000000e+00 : f32
    %add3A_9 = vector.broadcast %add3A_8 : f32 to vector<2000x1xf32>
    %add3A_10 = arith.addf %add3A, %add3A_9 : vector<2000x1xf32>
    %rsqrt3A = math.rsqrt %add3A_10 : vector<2000x1xf32>
    %mul3A = vector.broadcast %rsqrt3A : vector<2000x1xf32> to vector<2000x256xf32>
    %mul3A_11 = arith.mulf %get3A_1, %mul3A : vector<2000x256xf32>
    %slice3A_12 = vector.extract_strided_slice %mul3A_11 {offsets = [0, 0], sizes = [2000, 128], strides = [1, 1]} : vector<2000x256xf32> to vector<2000x128xf32>
    %swap3A = arith.constant 0 : index
    %swap3A_13 = arith.constant 0 : index
    %swap3A_14 = arith.constant 0 : index
    %swap3A_15 = vector.load %arg3[%swap3A, %swap3A_13, %swap3A_14] : memref<2x2000x128xf32, #tpu.memory_space<vmem>>, vector<1x2000x128xf32>
    %swap3A_16 = vector.shape_cast %swap3A_15 : vector<1x2000x128xf32> to vector<2000x128xf32>
    %swap3A_17 = vector.shape_cast %slice3A_12 : vector<2000x128xf32> to vector<1x2000x128xf32>
    tpu.vector_store %arg3[%swap3A, %swap3A_13, %swap3A_14], %swap3A_17 {strides = array<i32>} : memref<2x2000x128xf32, #tpu.memory_space<vmem>>, vector<1x2000x128xf32>,
    %slice3A_18 = vector.extract_strided_slice %mul3A_11 {offsets = [0, 128], sizes = [2000, 128], strides = [1, 1]} : vector<2000x256xf32> to vector<2000x128xf32>
    %swap3A_19 = arith.constant 1 : index
    %swap3A_20 = arith.constant 0 : index
    %swap3A_21 = arith.constant 0 : index
    %swap3A_22 = vector.load %arg3[%swap3A_19, %swap3A_20, %swap3A_21] : memref<2x2000x128xf32, #tpu.memory_space<vmem>>, vector<1x2000x128xf32>
    %swap3A_23 = vector.shape_cast %swap3A_22 : vector<1x2000x128xf32> to vector<2000x128xf32>
    %swap3A_24 = vector.shape_cast %slice3A_18 : vector<2000x128xf32> to vector<1x2000x128xf32>
    tpu.vector_store %arg3[%swap3A_19, %swap3A_20, %swap3A_21], %swap3A_24 {strides = array<i32>} : memref<2x2000x128xf32, #tpu.memory_space<vmem>>, vector<1x2000x128xf32>,
    return
  }
  func.func @transform_0(%arg0: i32) -> (i32, i32, i32) {
    %c0_i32 = arith.constant 0 : i32
    %c0_i32_0 = arith.constant 0 : i32
    %c0_i32_1 = arith.constant 0 : i32
    return %c0_i32, %arg0, %c0_i32_0 : i32, i32, i32
  }
  func.func @transform_1(%arg0: i32) -> (i32, i32) {
    %c0_i32 = arith.constant 0 : i32
    %c0_i32_0 = arith.constant 0 : i32
    return %arg0, %c0_i32 : i32, i32
  }
  func.func @transform_2(%arg0: i32) -> (i32, i32, i32) {
    %c0_i32 = arith.constant 0 : i32
    %c0_i32_0 = arith.constant 0 : i32
    %c0_i32_1 = arith.constant 0 : i32
    return %c0_i32, %arg0, %c0_i32_0 : i32, i32, i32
  }
}

module attributes {stable_mosaic.version = 14 : i64} {
  func.func @_mm_body(%arg0: i32, %arg1: memref<2x2000x128xf32, #tpu.memory_space<vmem>>, %arg2: memref<2x2000x128xf32, #tpu.memory_space<vmem>>, %arg3: memref<2x2000x128xf32, #tpu.memory_space<vmem>>, %arg4: memref<256x512xbf16, #tpu.memory_space<vmem>>, %arg5: memref<1x512xf32, #tpu.memory_space<vmem>>, %arg6: memref<512x256xbf16, #tpu.memory_space<vmem>>, %arg7: memref<2x2000x128xf32, #tpu.memory_space<vmem>>) attributes {dimension_semantics = [#tpu.dimension_semantics<arbitrary>], iteration_bounds = array<i64: 5>, scalar_prefetch = 0 : i64, scratch_operands = 0 : i64, tpu.core_type = #tpu.core_type<tc>, window_params = [{transform_indices = @transform_0, window_bounds = array<i64: 2, 2000, 128>}, {transform_indices = @transform_1, window_bounds = array<i64: 2, 2000, 128>}, {transform_indices = @transform_2, window_bounds = array<i64: 2, 2000, 128>}, {pipeline_mode = #tpu.pipeline_mode<synchronous>, transform_indices = @transform_3, window_bounds = array<i64: 256, 512>}, {pipeline_mode = #tpu.pipeline_mode<synchronous>, transform_indices = @transform_4, window_bounds = array<i64: 1, 512>}, {pipeline_mode = #tpu.pipeline_mode<synchronous>, transform_indices = @transform_5, window_bounds = array<i64: 512, 256>}, {transform_indices = @transform_6, window_bounds = array<i64: 2, 2000, 128>}]} {
    %get3A = arith.constant 0 : index
    %get3A_0 = arith.constant 0 : index
    %get3A_1 = arith.constant 0 : index
    %get3A_2 = vector.load %arg1[%get3A, %get3A_0, %get3A_1] : memref<2x2000x128xf32, #tpu.memory_space<vmem>>, vector<2x2000x128xf32>
    %slice3A = vector.extract_strided_slice %get3A_2 {offsets = [0, 0, 0], sizes = [1, 2000, 1], strides = [1, 1, 1]} : vector<2x2000x128xf32> to vector<1x2000x1xf32>
    %squeeze3A = vector.shape_cast %slice3A : vector<1x2000x1xf32> to vector<2000x1xf32>
    %slice3A_3 = vector.extract_strided_slice %get3A_2 {offsets = [1, 0, 0], sizes = [1, 2000, 1], strides = [1, 1, 1]} : vector<2x2000x128xf32> to vector<1x2000x1xf32>
    %squeeze3A_4 = vector.shape_cast %slice3A_3 : vector<1x2000x1xf32> to vector<2000x1xf32>
    %add3A = arith.addf %squeeze3A, %squeeze3A_4 : vector<2000x1xf32>
    %add3A_5 = arith.constant 1.000000e+00 : f32
    %add3A_6 = vector.broadcast %add3A_5 : f32 to vector<2000x1xf32>
    %add3A_7 = arith.addf %add3A, %add3A_6 : vector<2000x1xf32>
    %rsqrt3A = math.rsqrt %add3A_7 : vector<2000x1xf32>
    %get3A_8 = arith.constant 0 : index
    %get3A_9 = arith.constant 0 : index
    %get3A_10 = arith.constant 0 : index
    %get3A_11 = vector.load %arg2[%get3A_8, %get3A_9, %get3A_10] : memref<2x2000x128xf32, #tpu.memory_space<vmem>>, vector<1x2000x128xf32>
    %get3A_12 = vector.shape_cast %get3A_11 : vector<1x2000x128xf32> to vector<2000x128xf32>
    %get3A_13 = arith.constant 0 : index
    %get3A_14 = arith.constant 0 : index
    %get3A_15 = arith.constant 0 : index
    %get3A_16 = vector.load %arg3[%get3A_13, %get3A_14, %get3A_15] : memref<2x2000x128xf32, #tpu.memory_space<vmem>>, vector<1x2000x128xf32>
    %get3A_17 = vector.shape_cast %get3A_16 : vector<1x2000x128xf32> to vector<2000x128xf32>
    %add3A_18 = arith.addf %get3A_12, %get3A_17 : vector<2000x128xf32>
    %get3A_19 = arith.constant 1 : index
    %get3A_20 = arith.constant 0 : index
    %get3A_21 = arith.constant 0 : index
    %get3A_22 = vector.load %arg2[%get3A_19, %get3A_20, %get3A_21] : memref<2x2000x128xf32, #tpu.memory_space<vmem>>, vector<1x2000x128xf32>
    %get3A_23 = vector.shape_cast %get3A_22 : vector<1x2000x128xf32> to vector<2000x128xf32>
    %get3A_24 = arith.constant 1 : index
    %get3A_25 = arith.constant 0 : index
    %get3A_26 = arith.constant 0 : index
    %get3A_27 = vector.load %arg3[%get3A_24, %get3A_25, %get3A_26] : memref<2x2000x128xf32, #tpu.memory_space<vmem>>, vector<1x2000x128xf32>
    %get3A_28 = vector.shape_cast %get3A_27 : vector<1x2000x128xf32> to vector<2000x128xf32>
    %add3A_29 = arith.addf %get3A_23, %get3A_28 : vector<2000x128xf32>
    %concatenate3A = tpu.concatenate %add3A_18, %add3A_29 in 1 : vector<2000x128xf32>, vector<2000x128xf32> -> vector<2000x256xf32>
    %mul3A = vector.broadcast %rsqrt3A : vector<2000x1xf32> to vector<2000x256xf32>
    %mul3A_30 = arith.mulf %concatenate3A, %mul3A : vector<2000x256xf32>
    %convert_element_type3A = arith.truncf %mul3A_30 : vector<2000x256xf32> to vector<2000x256xbf16>
    %get3A_31 = arith.constant 0 : index
    %get3A_32 = arith.constant 0 : index
    %get3A_33 = vector.load %arg4[%get3A_31, %get3A_32] : memref<256x512xbf16, #tpu.memory_space<vmem>>, vector<256x512xbf16>
    %dot_general3A = arith.constant dense<0.000000e+00> : vector<2000x512xf32>
    %dot_general3A_34 = tpu.matmul %convert_element_type3A, %get3A_33, %dot_general3A {dimension_numbers = #tpu.dot_dimension_numbers<[1], [0], [0], [1], [0, 0, 1, 1], [], []>, transpose_lhs_hint = false} : vector<2000x256xbf16>, vector<256x512xbf16>, vector<2000x512xf32> -> vector<2000x512xf32>
    %get3A_35 = arith.constant 0 : index
    %get3A_36 = arith.constant 0 : index
    %get3A_37 = vector.load %arg5[%get3A_35, %get3A_36] : memref<1x512xf32, #tpu.memory_space<vmem>>, vector<1x512xf32>
    %add3A_38 = vector.broadcast %get3A_37 : vector<1x512xf32> to vector<2000x512xf32>
    %add3A_39 = arith.addf %dot_general3A_34, %add3A_38 : vector<2000x512xf32>
    %max3A = arith.constant 0.000000e+00 : f32
    %max3A_40 = vector.broadcast %max3A : f32 to vector<2000x512xf32>
    %max3A_41 = arith.maximumf %add3A_39, %max3A_40 : vector<2000x512xf32>
    %convert_element_type3A_42 = arith.truncf %max3A_41 : vector<2000x512xf32> to vector<2000x512xbf16>
    %get3A_43 = arith.constant 0 : index
    %get3A_44 = arith.constant 0 : index
    %get3A_45 = vector.load %arg6[%get3A_43, %get3A_44] : memref<512x256xbf16, #tpu.memory_space<vmem>>, vector<512x256xbf16>
    %dot_general3A_46 = arith.constant dense<0.000000e+00> : vector<2000x256xf32>
    %dot_general3A_47 = tpu.matmul %convert_element_type3A_42, %get3A_45, %dot_general3A_46 {dimension_numbers = #tpu.dot_dimension_numbers<[1], [0], [0], [1], [0, 0, 1, 1], [], []>, transpose_lhs_hint = false} : vector<2000x512xbf16>, vector<512x256xbf16>, vector<2000x256xf32> -> vector<2000x256xf32>
    %mul3A_48 = vector.broadcast %rsqrt3A : vector<2000x1xf32> to vector<2000x256xf32>
    %mul3A_49 = arith.mulf %dot_general3A_47, %mul3A_48 : vector<2000x256xf32>
    %slice3A_50 = vector.extract_strided_slice %mul3A_49 {offsets = [0, 0], sizes = [2000, 128], strides = [1, 1]} : vector<2000x256xf32> to vector<2000x128xf32>
    %swap3A = arith.constant 0 : index
    %swap3A_51 = arith.constant 0 : index
    %swap3A_52 = arith.constant 0 : index
    %swap3A_53 = vector.load %arg7[%swap3A, %swap3A_51, %swap3A_52] : memref<2x2000x128xf32, #tpu.memory_space<vmem>>, vector<1x2000x128xf32>
    %swap3A_54 = vector.shape_cast %swap3A_53 : vector<1x2000x128xf32> to vector<2000x128xf32>
    %swap3A_55 = vector.shape_cast %slice3A_50 : vector<2000x128xf32> to vector<1x2000x128xf32>
    tpu.vector_store %arg7[%swap3A, %swap3A_51, %swap3A_52], %swap3A_55 {strides = array<i32>} : memref<2x2000x128xf32, #tpu.memory_space<vmem>>, vector<1x2000x128xf32>,
    %slice3A_56 = vector.extract_strided_slice %mul3A_49 {offsets = [0, 128], sizes = [2000, 128], strides = [1, 1]} : vector<2000x256xf32> to vector<2000x128xf32>
    %swap3A_57 = arith.constant 1 : index
    %swap3A_58 = arith.constant 0 : index
    %swap3A_59 = arith.constant 0 : index
    %swap3A_60 = vector.load %arg7[%swap3A_57, %swap3A_58, %swap3A_59] : memref<2x2000x128xf32, #tpu.memory_space<vmem>>, vector<1x2000x128xf32>
    %swap3A_61 = vector.shape_cast %swap3A_60 : vector<1x2000x128xf32> to vector<2000x128xf32>
    %swap3A_62 = vector.shape_cast %slice3A_56 : vector<2000x128xf32> to vector<1x2000x128xf32>
    tpu.vector_store %arg7[%swap3A_57, %swap3A_58, %swap3A_59], %swap3A_62 {strides = array<i32>} : memref<2x2000x128xf32, #tpu.memory_space<vmem>>, vector<1x2000x128xf32>,
    return
  }
  func.func @transform_0(%arg0: i32) -> (i32, i32, i32) {
    %c0_i32 = arith.constant 0 : i32
    %c0_i32_0 = arith.constant 0 : i32
    %c0_i32_1 = arith.constant 0 : i32
    return %c0_i32, %arg0, %c0_i32_0 : i32, i32, i32
  }
  func.func @transform_1(%arg0: i32) -> (i32, i32, i32) {
    %c0_i32 = arith.constant 0 : i32
    %c0_i32_0 = arith.constant 0 : i32
    %c0_i32_1 = arith.constant 0 : i32
    return %c0_i32, %arg0, %c0_i32_0 : i32, i32, i32
  }
  func.func @transform_2(%arg0: i32) -> (i32, i32, i32) {
    %c0_i32 = arith.constant 0 : i32
    %c0_i32_0 = arith.constant 0 : i32
    %c0_i32_1 = arith.constant 0 : i32
    return %c0_i32, %arg0, %c0_i32_0 : i32, i32, i32
  }
  func.func @transform_3(%arg0: i32) -> (i32, i32) {
    %c0_i32 = arith.constant 0 : i32
    %c0_i32_0 = arith.constant 0 : i32
    %c0_i32_1 = arith.constant 0 : i32
    return %c0_i32, %c0_i32_0 : i32, i32
  }
  func.func @transform_4(%arg0: i32) -> (i32, i32) {
    %c0_i32 = arith.constant 0 : i32
    %c0_i32_0 = arith.constant 0 : i32
    %c0_i32_1 = arith.constant 0 : i32
    return %c0_i32, %c0_i32_0 : i32, i32
  }
  func.func @transform_5(%arg0: i32) -> (i32, i32) {
    %c0_i32 = arith.constant 0 : i32
    %c0_i32_0 = arith.constant 0 : i32
    %c0_i32_1 = arith.constant 0 : i32
    return %c0_i32, %c0_i32_0 : i32, i32
  }
  func.func @transform_6(%arg0: i32) -> (i32, i32, i32) {
    %c0_i32 = arith.constant 0 : i32
    %c0_i32_0 = arith.constant 0 : i32
    %c0_i32_1 = arith.constant 0 : i32
    return %c0_i32, %arg0, %c0_i32_0 : i32, i32, i32
  }
}

module attributes {stable_mosaic.version = 14 : i64} {
  func.func @_out_body(%arg0: i32, %arg1: memref<2x2000x128xf32, #tpu.memory_space<vmem>>, %arg2: memref<2x2000x128xf32, #tpu.memory_space<vmem>>, %arg3: memref<2x2000x128xf32, #tpu.memory_space<vmem>>, %arg4: memref<1x256xf32, #tpu.memory_space<vmem>>, %arg5: memref<2000x256xf32, #tpu.memory_space<vmem>>) attributes {dimension_semantics = [#tpu.dimension_semantics<arbitrary>], iteration_bounds = array<i64: 5>, scalar_prefetch = 0 : i64, scratch_operands = 0 : i64, tpu.core_type = #tpu.core_type<tc>, window_params = [{transform_indices = @transform_0, window_bounds = array<i64: 2, 2000, 128>}, {transform_indices = @transform_1, window_bounds = array<i64: 2, 2000, 128>}, {transform_indices = @transform_2, window_bounds = array<i64: 2, 2000, 128>}, {pipeline_mode = #tpu.pipeline_mode<synchronous>, transform_indices = @transform_3, window_bounds = array<i64: 1, 256>}, {transform_indices = @transform_4, window_bounds = array<i64: 2000, 256>}]} {
    %get3A = arith.constant 0 : index
    %get3A_0 = arith.constant 0 : index
    %get3A_1 = arith.constant 0 : index
    %get3A_2 = vector.load %arg1[%get3A, %get3A_0, %get3A_1] : memref<2x2000x128xf32, #tpu.memory_space<vmem>>, vector<2x2000x128xf32>
    %slice3A = vector.extract_strided_slice %get3A_2 {offsets = [0, 0, 0], sizes = [1, 2000, 1], strides = [1, 1, 1]} : vector<2x2000x128xf32> to vector<1x2000x1xf32>
    %squeeze3A = vector.shape_cast %slice3A : vector<1x2000x1xf32> to vector<2000x1xf32>
    %slice3A_3 = vector.extract_strided_slice %get3A_2 {offsets = [1, 0, 0], sizes = [1, 2000, 1], strides = [1, 1, 1]} : vector<2x2000x128xf32> to vector<1x2000x1xf32>
    %squeeze3A_4 = vector.shape_cast %slice3A_3 : vector<1x2000x1xf32> to vector<2000x1xf32>
    %add3A = arith.addf %squeeze3A, %squeeze3A_4 : vector<2000x1xf32>
    %add3A_5 = arith.constant 1.000000e+00 : f32
    %add3A_6 = vector.broadcast %add3A_5 : f32 to vector<2000x1xf32>
    %add3A_7 = arith.addf %add3A, %add3A_6 : vector<2000x1xf32>
    %rsqrt3A = math.rsqrt %add3A_7 : vector<2000x1xf32>
    %get3A_8 = arith.constant 0 : index
    %get3A_9 = arith.constant 0 : index
    %get3A_10 = arith.constant 0 : index
    %get3A_11 = vector.load %arg2[%get3A_8, %get3A_9, %get3A_10] : memref<2x2000x128xf32, #tpu.memory_space<vmem>>, vector<1x2000x128xf32>
    %get3A_12 = vector.shape_cast %get3A_11 : vector<1x2000x128xf32> to vector<2000x128xf32>
    %get3A_13 = arith.constant 0 : index
    %get3A_14 = arith.constant 0 : index
    %get3A_15 = arith.constant 0 : index
    %get3A_16 = vector.load %arg3[%get3A_13, %get3A_14, %get3A_15] : memref<2x2000x128xf32, #tpu.memory_space<vmem>>, vector<1x2000x128xf32>
    %get3A_17 = vector.shape_cast %get3A_16 : vector<1x2000x128xf32> to vector<2000x128xf32>
    %add3A_18 = arith.addf %get3A_12, %get3A_17 : vector<2000x128xf32>
    %get3A_19 = arith.constant 1 : index
    %get3A_20 = arith.constant 0 : index
    %get3A_21 = arith.constant 0 : index
    %get3A_22 = vector.load %arg2[%get3A_19, %get3A_20, %get3A_21] : memref<2x2000x128xf32, #tpu.memory_space<vmem>>, vector<1x2000x128xf32>
    %get3A_23 = vector.shape_cast %get3A_22 : vector<1x2000x128xf32> to vector<2000x128xf32>
    %get3A_24 = arith.constant 1 : index
    %get3A_25 = arith.constant 0 : index
    %get3A_26 = arith.constant 0 : index
    %get3A_27 = vector.load %arg3[%get3A_24, %get3A_25, %get3A_26] : memref<2x2000x128xf32, #tpu.memory_space<vmem>>, vector<1x2000x128xf32>
    %get3A_28 = vector.shape_cast %get3A_27 : vector<1x2000x128xf32> to vector<2000x128xf32>
    %add3A_29 = arith.addf %get3A_23, %get3A_28 : vector<2000x128xf32>
    %concatenate3A = tpu.concatenate %add3A_18, %add3A_29 in 1 : vector<2000x128xf32>, vector<2000x128xf32> -> vector<2000x256xf32>
    %mul3A = vector.broadcast %rsqrt3A : vector<2000x1xf32> to vector<2000x256xf32>
    %mul3A_30 = arith.mulf %concatenate3A, %mul3A : vector<2000x256xf32>
    %get3A_31 = arith.constant 0 : index
    %get3A_32 = arith.constant 0 : index
    %get3A_33 = vector.load %arg4[%get3A_31, %get3A_32] : memref<1x256xf32, #tpu.memory_space<vmem>>, vector<1x256xf32>
    %add3A_34 = vector.broadcast %get3A_33 : vector<1x256xf32> to vector<2000x256xf32>
    %add3A_35 = arith.addf %mul3A_30, %add3A_34 : vector<2000x256xf32>
    %reduce_max3A = arith.constant dense<0xFF800000> : vector<2000xf32>
    %reduce_max3A_36 = vector.multi_reduction <maximumf>, %add3A_35, %reduce_max3A [1] : vector<2000x256xf32> to vector<2000xf32>
    %broadcast_in_dim3A = vector.shape_cast %reduce_max3A_36 : vector<2000xf32> to vector<2000x1xf32>
    %sub3A = vector.broadcast %broadcast_in_dim3A : vector<2000x1xf32> to vector<2000x256xf32>
    %sub3A_37 = arith.subf %add3A_35, %sub3A : vector<2000x256xf32>
    %exp3A = math.exp %sub3A_37 : vector<2000x256xf32>
    %reduce_sum3A = arith.constant dense<0.000000e+00> : vector<2000xf32>
    %reduce_sum3A_38 = vector.multi_reduction <add>, %exp3A, %reduce_sum3A [1] : vector<2000x256xf32> to vector<2000xf32>
    %broadcast_in_dim3A_39 = vector.shape_cast %reduce_sum3A_38 : vector<2000xf32> to vector<2000x1xf32>
    %log3A = math.log %broadcast_in_dim3A_39 : vector<2000x1xf32>
    %sub3A_40 = vector.broadcast %broadcast_in_dim3A : vector<2000x1xf32> to vector<2000x256xf32>
    %sub3A_41 = arith.subf %add3A_35, %sub3A_40 : vector<2000x256xf32>
    %sub3A_42 = vector.broadcast %log3A : vector<2000x1xf32> to vector<2000x256xf32>
    %sub3A_43 = arith.subf %sub3A_41, %sub3A_42 : vector<2000x256xf32>
    %swap3A = arith.constant 0 : index
    %swap3A_44 = arith.constant 0 : index
    %swap3A_45 = vector.load %arg5[%swap3A, %swap3A_44] : memref<2000x256xf32, #tpu.memory_space<vmem>>, vector<2000x256xf32>
    tpu.vector_store %arg5[%swap3A, %swap3A_44], %sub3A_43 {strides = array<i32>} : memref<2000x256xf32, #tpu.memory_space<vmem>>, vector<2000x256xf32>,
    return
  }
  func.func @transform_0(%arg0: i32) -> (i32, i32, i32) {
    %c0_i32 = arith.constant 0 : i32
    %c0_i32_0 = arith.constant 0 : i32
    %c0_i32_1 = arith.constant 0 : i32
    return %c0_i32, %arg0, %c0_i32_0 : i32, i32, i32
  }
  func.func @transform_1(%arg0: i32) -> (i32, i32, i32) {
    %c0_i32 = arith.constant 0 : i32
    %c0_i32_0 = arith.constant 0 : i32
    %c0_i32_1 = arith.constant 0 : i32
    return %c0_i32, %arg0, %c0_i32_0 : i32, i32, i32
  }
  func.func @transform_2(%arg0: i32) -> (i32, i32, i32) {
    %c0_i32 = arith.constant 0 : i32
    %c0_i32_0 = arith.constant 0 : i32
    %c0_i32_1 = arith.constant 0 : i32
    return %c0_i32, %arg0, %c0_i32_0 : i32, i32, i32
  }
  func.func @transform_3(%arg0: i32) -> (i32, i32) {
    %c0_i32 = arith.constant 0 : i32
    %c0_i32_0 = arith.constant 0 : i32
    %c0_i32_1 = arith.constant 0 : i32
    return %c0_i32, %c0_i32_0 : i32, i32
  }
  func.func @transform_4(%arg0: i32) -> (i32, i32) {
    %c0_i32 = arith.constant 0 : i32
    %c0_i32_0 = arith.constant 0 : i32
    return %arg0, %c0_i32 : i32, i32
  }
}

</mosaic_0001>

<sc_bundles>
// kernel: kernel.11.cloned.1.call-start
scs
__scs_entry_jumppad:
0x0: {  	(pc) =	sbr.rel $0x88, $3  }
0x1: {  	(tag) =	ssettag $0x0;
	lr =	simm.s32 $0x1  }
0x2: {  	[smem:$0x3F9B] =	sst lr;
	_ =	strace $0xD0000000  }
0x3: {  	_ = 	snop  }
0x4: {  	_ = 	snop  }
0x5: {  	_ = 	snop  }
0x6: {  	_ = 	snop  }
0x7: {  	_ = 	snop  }
__scs_overlays_trampoline_lowered:
0x8: {  	[smem:$0x3FAA] =	sst s0  }
0x9: {  	[smem:$0x3FAB] =	sst s1  }
0xa: {  	[smem:$0x3FAC] =	sst s2  }
0xb: {  	[smem:$0x3FAD] =	sst s3  }
0xc: {  	[smem:$0x3FAE] =	sst s4  }
0xd: {  	[smem:$0x3FAF] =	sst s5  }
0xe: {  	[smem:$0x3FB0] =	sst s6  }
0xf: {  	[smem:$0x3FB1] =	sst s7  }
0x10: {  	[smem:$0x3FB2] =	sst s8  }
0x11: {  	[smem:$0x3FB3] =	sst s9;
	s0 =	simm.s32 @!p0 $0x0  }
0x12: {  	s1 =	sld [smem:$0x3F99];
	s0 =	simm.s32 @p0 $0x1  }
0x13: {  	[smem:$0x3FB4] =	sst s0;
	s0 =	simm.s32 @!p1 $0x0  }
0x14: {  	s2 =	sld [smem:$0x3F98];
	s0 =	simm.s32 @p1 $0x1  }
0x15: {  	[smem:$0x3FB5] =	sst s0;
	s0 =	simm.s32 @!p2 $0x0  }
0x16: {  	s3 =	sld [smem:$0x3FDB];
	s0 =	simm.s32 @p2 $0x1  }
0x17: {  	s4 =	simm.s32 $0x1BF5;
	[smem:$0x3FB7] =	sst s0  }
0x18: {  	s0 =	sld [smem:$0x3F9A];
	_ =	swait.ge [sflag:s4], $0x0  }
0x19: {  	s7 =	sld [smem:$0x3F9B]  }
0x1a: {  	s8 =	sadd.s32 $0xFFFFE003, lr  }
0x1b: {  	s9 =	sadd.s32 $0xFFFFFEF7, lr;
	s5 =	simm.s32 $0xFFFFFFFF;
	p2 =	slt.u32 s8, $0xFFFFF086  }
0x1c: {  	p1 =	slt.u32 s9, $0xF7A;
	s5 =	simm.s32 @!p2 $0x0  }
0x1d: {  	s5 =	simm.s32 @p1 $0x1;
	p0 =	seq.s32 s7, s2  }
0x1e: {  	s7 =	smul.u32 @!p0 $0xF7A, s2;
	p2 =	seq.s32 @!p0 s5, $0x0  }
0x1f: {  	s9 =	smul.u32 $0xF7A, s1;
	s8 =	simm.s32 @!p0 $0x1BF5;
	p2 =	por !p2, p0  }
0x20: {  	[sflag:s8] =	ssyncset.s32 @!p0 $0xFFFFF086;
	s6 =	sadd.s32 @!p0 s3, s7;
	s7 =	simm.s32 @!p0 $0x108  }
0x21: {  	s3 =	sadd.s32 s3, s9;
	s6 =	sadd.s32 @!p0 $0x88, s6;
	s7 =	simm.s32 @p2 $0x1082  }
0x22: {  	[simem:s7], [sflag:s8] =	dma.local @!p0 [hbm:s6], $0xF7A  }
0x23: {  	s9 =	sor.u32 $0xD0000000, s2;
	s6 =	simm.s32 $0x108;
	_ =	swait.ge @!p0 [sflag:s8], $0x0  }
0x24: {  	s3 =	sadd.s32 $0x88, s3;
	s6 =	simm.s32 @!p1 $0x1082;
	[sflag:s4] =	ssyncset.s32 $0xFFFFF086  }
0x25: {  	[simem:s6], [sflag:s4] =	dma.local [hbm:s3], $0xF7A  }
0x26: {  	[smem:$0x3F9B] =	sst s1;
	(tag) =	ssettag s2;
	_ =	strace s9  }
0x27: {  	s1 =	sld [smem:$0x3FAB]  }
0x28: {  	s2 =	sld [smem:$0x3FAC]  }
0x29: {  	s4 =	sld [smem:$0x3FAE]  }
0x2a: {  	p0 =	seq.s32 s5, $0x0;
	s5 =	sld [smem:$0x3FAF]  }
0x2b: {  	s6 =	sld [smem:$0x3FB0]  }
0x2c: {  	s7 =	sld [smem:$0x3FB1]  }
0x2d: {  	s3 =	simm.s32 $0x108;
	s8 =	sld [smem:$0x3FB2]  }
0x2e: {  	s3 =	simm.s32 @!p0 $0x1082;
	s9 =	sld [smem:$0x3FB3]  }
0x2f: {  	lr =	sadd.s32 s0, s3;
	s0 =	sld [smem:$0x3FAA]  }
0x30: {  	s3 =	sld [smem:$0x3FAD]  }
0x31: {  	[smem:$0x3FB6] =	sst s10  }
0x32: {  	s10 =	sld [smem:$0x3FB4];
	_ =	sdelay $0x3  }
0x33: {  	p0 =	seq.s32 s10, $0x1;
	s10 =	sld [smem:$0x3FB6];
	_ =	sdelay $0x3  }
0x34: {  	[smem:$0x3FB6] =	sst s10  }
0x35: {  	s10 =	sld [smem:$0x3FB5];
	_ =	sdelay $0x3  }
0x36: {  	p1 =	seq.s32 s10, $0x1;
	s10 =	sld [smem:$0x3FB6];
	_ =	sdelay $0x3  }
0x37: {  	[smem:$0x3FB6] =	sst s10  }
0x38: {  	s10 =	sld [smem:$0x3FB7]  }
0x39: {  	_ = 	snop;
	(pc) =	sbr.ind lr, $3  }
0x3a: {  	_ = 	snop  }
0x3b: {  	_ = 	snop  }
0x3c: {  	p2 =	seq.s32 s10, $0x1;
	s10 =	sld [smem:$0x3FB6]  }
0x3d: {  	_ =	shalt  }
0x3e: {  	_ =	shalt  }
0x3f: {  	_ =	shalt  }
0x40: {  	_ =	shalt  }
0x41: {  	_ =	shalt  }
0x42: {  	_ =	shalt  }
0x43: {  	_ =	shalt  }
0x44: {  	_ =	shalt  }
0x45: {  	_ =	shalt  }
0x46: {  	_ =	shalt  }
0x47: {  	_ =	shalt  }
0x48: {  	_ =	shalt  }
0x49: {  	_ =	shalt  }
0x4a: {  	_ =	shalt  }
0x4b: {  	_ =	shalt  }
0x4c: {  	_ =	shalt  }
0x4d: {  	_ =	shalt  }
0x4e: {  	_ =	shalt  }
0x4f: {  	_ =	shalt  }
0x50: {  	_ =	shalt  }
0x51: {  	_ =	shalt  }
0x52: {  	_ =	shalt  }
0x53: {  	_ =	shalt  }
0x54: {  	_ =	shalt  }
0x55: {  	_ =	shalt  }
0x56: {  	_ =	shalt  }
0x57: {  	_ =	shalt  }
0x58: {  	_ =	shalt  }
0x59: {  	_ =	shalt  }
0x5a: {  	_ =	shalt  }
0x5b: {  	_ =	shalt  }
0x5c: {  	_ =	shalt  }
0x5d: {  	_ =	shalt  }
0x5e: {  	_ =	shalt  }
0x5f: {  	_ =	shalt  }
0x60: {  	_ =	shalt  }
0x61: {  	_ =	shalt  }
0x62: {  	_ =	shalt  }
0x63: {  	_ =	shalt  }
0x64: {  	_ =	shalt  }
0x65: {  	_ =	shalt  }
0x66: {  	_ =	shalt  }
0x67: {  	_ =	shalt  }
0x68: {  	_ =	shalt  }
0x69: {  	_ =	shalt  }
0x6a: {  	_ =	shalt  }
0x6b: {  	_ =	shalt  }
0x6c: {  	_ =	shalt  }
0x6d: {  	_ =	shalt  }
0x6e: {  	_ =	shalt  }
0x6f: {  	_ =	shalt  }
0x70: {  	_ =	shalt  }
0x71: {  	_ =	shalt  }
0x72: {  	_ =	shalt  }
0x73: {  	_ =	shalt  }
0x74: {  	_ =	shalt  }
0x75: {  	_ =	shalt  }
0x76: {  	_ =	shalt  }
0x77: {  	_ =	shalt  }
0x78: {  	_ =	shalt  }
0x79: {  	_ =	shalt  }
0x7a: {  	_ =	shalt  }
0x7b: {  	_ =	shalt  }
0x7c: {  	_ =	shalt  }
0x7d: {  	_ =	shalt  }
0x7e: {  	_ =	shalt  }
0x7f: {  	_ =	shalt  }
0x80: {  	_ =	shalt  }
0x81: {  	_ =	shalt  }
0x82: {  	_ =	shalt  }
0x83: {  	_ =	shalt  }
0x84: {  	_ =	shalt  }
0x85: {  	_ =	shalt  }
0x86: {  	_ =	shalt  }
0x87: {  	_ =	shalt  }
.Lfunc_end0:
.L_simem_size_0:
called_computation.1_lowered:
.L_overlay_start_0:
0x88: {  	s2 =	sld [smem:$0x3FD9]  }
0x89: {  	s3 =	sld [smem:$0x3FFE];
	_ =	sdelay $0x1  }
0x8a: {  	s1 =	srdreg.scid  }
0x8b: {  	s0 =	sand.u32 $0x1, s1  }
0x8c: {  	s17 =	sshll.u32 s0, $0xA;
	s2 =	sadd.s32 s3, s2  }
0x8d: {  	s2 =	sadd.s32 s2, s17  }
0x8e: {  	[smem:$0x3FC2] =	sst s2  }
0x8f: {  	_ = 	snop  }
0x90: {  	s2 =	sld [smem:$0x3FD0];
	(tm) =	ssettm $0x1  }
0x91: {  	s18 =	sld [smem:$0x3FFB];
	_ =	sdelay $0x3  }
0x92: {  	_ =	strace s18  }
0x93: {  	s3 =	sld [smem:$0x3FFC];
	_ =	sdelay $0x3  }
0x94: {  	_ =	strace s3  }
0x95: {  	s3 =	sld [smem:$0x3FFD];
	_ =	sdelay $0x3  }
0x96: {  	_ =	strace s3  }
0x97: {  	_ =	strace $0x8FFFFFFF  }
0x98: {  	s19 =	sld [smem:$0x3FDB];
	_ =	sdelay $0x1  }
0x99: {  	s4 =	simm.s32 $_scs_section_size  }
0x9a: {  	s5 =	simm.s32 $_size__tile_overlayer_lowered;
	s6 =	simm.s32 $_tile_overlayer_lowered  }
0x9b: {  	s22 =	simm.s32 $0x1BFF;
	s21 =	sshll.u32 s6, $0x1;
	s3 =	sadd.s32 s4, s19  }
0x9c: {  	s7 =	simm.s32 $0x0;
	s20 =	sshll.u32 s5, $0x1;
	s5 =	sadd.s32 s21, s3  }
0x9d: {  	[timem:s7], [sflag:s22] =	dma.local [hbm:s5], s20  }
0x9e: {  	_ =	swait.ge [sflag:s22], s20  }
0x9f: {  	s4 =	ssub.s32 $0x0, s20;
	[sflag:s22] =	ssyncset.done $0x0  }
0xa0: {  	[sflag:s22] =	ssyncadd.s32 s4;
	_ =	sdelay $0x1  }
0xa1: {  	s23 =	simm.s32 $0x1B8B  }
0xa2: {  	_ =	swait.ge [sflag:s23], $0x1  }
0xa3: {  	[sflag:s23] =	ssyncset.done $0x0  }
0xa4: {  	s25 =	simm.s32 $0x1B8E;
	s24 =	sld [smem:$0x3FFE];
	[sflag:s23] =	ssyncadd.s32 $0xFFFFFFFF  }
0xa5: {  	s26 =	simm.s32 $execute0_lowered;
	[smem:$0x3FD2] =	sst s25  }
0xa6: {  	s5 =	sshll.u32 s26, $0x1;
	_ =	strace $0x80000049;
	[dreg:$0x1] =	wrdreg $0xFFFFFFFF  }
0xa7: {  	s28 =	simm.s32 $_size_execute0_lowered;
	s3 =	sadd.s32 s3, s5;
	[dreg:$0x0] =	wrdreg $0x0  }
0xa8: {  	s5 =	sshll.u32 s28, $0x1;
	[dreg:$0x2] =	wrdreg s3  }
0xa9: {  	[dreg:$0x3] =	wrdreg s5  }
0xaa: {  	[dreg:$0x4] =	wrdreg $0xC0  }
0xab: {  	_ =	task [dreg:s7], $0x5FFFF  }
0xac: {  	[dreg:$0x1] =	wrdreg $0xFFFFFFFF  }
0xad: {  	[dreg:$0x0] =	wrdreg $0x60  }
0xae: {  	[dreg:$0x2] =	wrdreg s2  }
0xaf: {  	[dreg:$0x3] =	wrdreg s24  }
0xb0: {  	[dreg:$0x4] =	wrdreg $0xB8000  }
0xb1: {  	[dreg:$0x5] =	wrdreg $0x9  }
0xb2: {  	_ =	task.clear_ibuf [dreg:s7], $0x6FFFF;
	_ =	strace $0x90000049  }
0xb3: {  	s29 =	simm.s32 $0x9;
	_ =	strace $0x8000004B  }
0xb4: {  	_ =	swait.ge [sflag:s29], $0x1  }
0xb5: {  	[sflag:s29] =	ssyncadd.s32 $0xFFFFFFFF  }
0xb6: {  	_ =	strace $0x9000004B  }
0xb7: {  	_ =	sfence  }
0xb8: {  	s30 =	sld [smem:$0x0];
	_ =	sdelay $0x2  }
0xb9: {  	s31 =	sshll.u32 s1, $0xD;
	s1 =	sshrl.u32 s1, $0x2  }
0xba: {  	s3 =	sand.u32 $0x4000, s31;
	s1 =	sadd.s32 s1, s30  }
0xbb: {  	s0 =	sor.u32 s3, s0;
	s1 =	sshll.u32 s1, $0x11  }
0xbc: {  	s0 =	sor.u32 s1, s0  }
0xbd: {  	s0 =	sadd.s32 $0x8F2B, s0  }
0xbe: {  	[sflag:s0] =	ssyncadd.remote.s32 $0x1  }
0xbf: {  	_ =	sfence.sel $0xFFFF  }
0xc0: {  	[dreg:$0x0] =	wrdreg $0xFFFFFFFF;
	(pc) =	sbr.abs _section_cstart, $3  }
0xc1: {  	[dreg:$0x1] =	wrdreg $0xFFFFFFFF  }
0xc2: {  	_ =	task.clear_ibuf [dreg:s7], $0x2FFFF;
	_ =	strace $0x9FFFFFFF  }
0xc3: {  	(tm) =	ssettm $0x7FFFFFFF  }
tec
execute0_lowered:
.L_overlay_start_1:
0x0: {  	(tag) =	ssettag $0x1  }
0x1: {  	s1 =	rddreg [dreg:$0x0]  }
0x2: {  	s0 =	srdreg.scid;
	s6 =	rddreg [dreg:$0x1]  }
0x3: {  	s3 =	rddreg [dreg:$0x2];
	s14 =	simm.s32 $0x400;
	s15 =	simm.s32 $0x2800  }
0x4: {  	s16 =	simm.s32 $0x50;
	s17 =	simm.s32 $0x6800;
	s18 =	simm.s32 $0x9000  }
0x5: {  	s19 =	simm.s32 $0x1;
	s20 =	simm.s32 $0x3;
	s21 =	simm.s32 $0x2  }
0x6: {  	s22 =	simm.s32 $0x4;
	s23 =	simm.s32 $0x6700;
	s24 =	simm.s32 $0x6780  }
0x7: {  	s25 =	simm.s32 $0x0;
	s5 =	sand.u32 $0x1, s0;
	s0 =	stileid.u32  }
0x8: {  	s2 =	sshll.u32 s5, $0x4;
	s8 =	sshll.u32 s0, $0x7;
	s9 =	smul.u32 $0x140000, s5  }
0x9: {  	s26 =	smul.u32 $0x14000, s0;
	s10 =	sshll.u32 s0, $0xB;
	s28 =	ssub.s32 $0x2, s5  }
0xa: {  	s11 =	smul.u32 $0x50000, s0;
	s5 =	sadd.s32 $0x3000, s6;
	s31 =	sshll.u32 s0, $0x6  }
0xb: {  	s2 =	sor.u32 s0, s2;
	s8 =	sand.u32 $0x380, s8;
	s10 =	sadd.s32 s10, s6  }
0xc: {  	s29 =	sshrl.u32 s28, $0x1;
	s4 =	sshrl.u32 s2, $0x3;
	s2 =	rddreg [dreg:$0x3]  }
0xd: {  	s30 =	sshrl.u32 s11, $0x2;
	s7 =	smul.u32 $0x14000, s4;
	s4 =	simm.s32 $0x0  }
0xe: {  	s13 =	ssub.s32 s28, s29;
	s11 =	sadd.s32 s30, s3;
	[smem:$0x7FF] =	sst s4  }
0xf: {  	s11 =	sshrl.u32 s11, $0x3;
	s7 =	sor.u32 s8, s7;
	s8 =	sadd.s32 s26, s9  }
0x10: {  	_ =	strace $0x8000004A;
	s7 =	sshrl.u32 s7, $0x3;
	s8 =	sshrl.u32 s8, $0x3  }
0x11: {  	s7 =	sadd.s32 s7, s6;
	s12 =	sadd.s32 s8, s6;
	s6 =	sor.u32 $0x1C05, s31  }
0x12: {  	s8 =	sadd.s32 $0x55800, s10;
	s10 =	smax.u32 s13, $0x1;
	s13 =	simm.s32 $0x80  }
0x13: {  	s7 =	sadd.s32 $0x5D800, s7;
	s9 =	sadd.s32 $0x67800, s12;
	s12 =	simm.s32 $0x5  }
.LBB2_1:
0x14: {  	[spmem:s11], [sflag:s6] =	dma.local [hbm:s5], $0x2800  }
0x15: {  	_ =	swait.ge [sflag:s12], $0x2800  }
0x16: {  	[sflag:s12] =	ssyncset.done $0x0  }
0x17: {  	[sflag:s12] =	ssyncadd.s32 $0xFFFFD800  }
0x18: {  	[tilespmem:s4], [sflag:$0x5] =	stream.strided.gather [hbm4b:s7+s13], $0x2800, s14, s13, $0x38;
	[tilespmem:$0x1F800] =	vst v63  }
0x19: {  	_ =	swait.ge [sflag:s12], $0x2800  }
0x1a: {  	[sflag:s12] =	ssyncset.done $0x0  }
0x1b: {  	[sflag:s12] =	ssyncadd.s32 $0xFFFFD800  }
0x1c: {  	[tilespmem:s15], [sflag:$0x5] =	stream.linear.gather [hbm4b:s8+s4], $0x4000, $0x38;
	[tilespmem:$0x1F800] =	vst v63  }
0x1d: {  	_ =	swait.ge [sflag:s12], $0x4000  }
0x1e: {  	[sflag:s12] =	ssyncset.done $0x0  }
0x1f: {  	[sflag:s12] =	ssyncadd.s32 $0xFFFFC000  }
0x20: {  	[bflag:$0x0] =	sbarrier.arrive $0xFFFF  }
0x21: {  	[tilespmem:s17], [sflag:$0x1] =	stream.indirect.gather [hbm4b:s1+s16], $0x80, s4, s16, $0xb8;
	[tilespmem:$0x1F800] =	vst v63  }
0x22: {  	_ = 	snop  }
0x23: {  	[tilespmem:s18], [sflag:$0x2] =	stream.indirect.gather [hbm4b:s1+s16], $0x80, s16, s16, $0xb8;
	[tilespmem:$0x1F800] =	vst v63  }
0x24: {  	_ =	swait.ge [sflag:s19], $0x2800  }
0x25: {  	[sflag:s19] =	ssyncset.done $0x0  }
0x26: {  	s26 =	simm.s32 $0x2800;
	[sflag:s19] =	ssyncadd.s32 $0xFFFFD800  }
0x27: {  	[spmem:s3] =	stream.indirect.scatter.add.f32 [tilespmem:s17], [sflag:$0x3], $0x80, s26, s16, $0xb8;
	[tilespmem:$0x1F800] =	vst v63  }
0x28: {  	_ =	swait.ge [sflag:s20], $0x2800  }
0x29: {  	[sflag:s20] =	ssyncset.done $0x0  }
0x2a: {  	s30 =	simm.s32 $0xA0;
	[sflag:s20] =	ssyncadd.s32 $0xFFFFD800  }
0x2b: {  	[tilespmem:s17], [sflag:$0x1] =	stream.indirect.gather [hbm4b:s1+s16], $0x80, s30, s16, $0xb8;
	[tilespmem:$0x1F800] =	vst v63  }
0x2c: {  	_ =	swait.ge [sflag:s21], $0x2800  }
0x2d: {  	[sflag:s21] =	ssyncset.done $0x0  }
0x2e: {  	s31 =	simm.s32 $0x2880;
	[sflag:s21] =	ssyncadd.s32 $0xFFFFD800  }
0x2f: {  	[spmem:s3] =	stream.indirect.scatter.add.f32 [tilespmem:s18], [sflag:$0x4], $0x80, s31, s16, $0xb8;
	[tilespmem:$0x1F800] =	vst v63  }
0x30: {  	_ =	swait.ge [sflag:s22], $0x2800  }
0x31: {  	s28 =	simm.s32 $0x400;
	[sflag:s22] =	ssyncset.done $0x0  }
0x32: {  	s29 =	simm.s32 $0x190;
	s26 =	simm.s32 $0xF0;
	[sflag:s22] =	ssyncadd.s32 $0xFFFFD800  }
.LBB2_2:
0x33: {  	[tilespmem:s18], [sflag:$0x2] =	stream.indirect.gather [hbm4b:s1+s16], $0x80, s26, s16, $0xb8;
	[tilespmem:$0x1F800] =	vst v63  }
0x34: {  	s30 =	smov.u32 s28;
	s26 =	smov.u32 s29  }
0x35: {  	p0 =	sne.s32 s28, $0xF800;
	s28 =	sadd.s32 $0x400, s28;
	_ =	swait.ge [sflag:s19], $0x2800  }
0x36: {  	s30 =	sshra.s32 s30, $0x2;
	[sflag:s19] =	ssyncset.done $0x0  }
0x37: {  	s31 =	sadd.s32 $0x2800, s30;
	[sflag:s19] =	ssyncadd.s32 $0xFFFFD800  }
0x38: {  	[spmem:s3] =	stream.indirect.scatter.add.f32 [tilespmem:s17], [sflag:$0x3], $0x80, s31, s16, $0xb8;
	[tilespmem:$0x1F800] =	vst v63  }
0x39: {  	_ =	swait.ge [sflag:s20], $0x2800  }
0x3a: {  	[sflag:s20] =	ssyncset.done $0x0  }
0x3b: {  	s31 =	sadd.s32 $0xFFFFFFB0, s29;
	[sflag:s20] =	ssyncadd.s32 $0xFFFFD800  }
0x3c: {  	[tilespmem:s17], [sflag:$0x1] =	stream.indirect.gather [hbm4b:s1+s16], $0x80, s31, s16, $0xb8;
	[tilespmem:$0x1F800] =	vst v63  }
0x3d: {  	_ =	swait.ge [sflag:s21], $0x2800  }
0x3e: {  	[sflag:s21] =	ssyncset.done $0x0  }
.Ltmp0:
0x3f: {  	s30 =	sadd.s32 $0x2880, s30;
	[sflag:s21] =	ssyncadd.s32 $0xFFFFD800;
	(pc) =	sbr.rel @p0 .LBB2_2-.Ltmp0, $4  }
0x40: {  	[spmem:s3] =	stream.indirect.scatter.add.f32 [tilespmem:s18], [sflag:$0x4], $0x80, s30, s16, $0xb8;
	[tilespmem:$0x1F800] =	vst v63  }
0x41: {  	_ =	swait.ge [sflag:s22], $0x2800  }
0x42: {  	[sflag:s22] =	ssyncset.done $0x0  }
0x43: {  	s29 =	sadd.s32 $0xA0, s29;
	[sflag:s22] =	ssyncadd.s32 $0xFFFFD800  }
0x44: {  	[tilespmem:s18], [sflag:$0x2] =	stream.indirect.gather [hbm4b:s1+s16], $0x80, s26, s16, $0xb8;
	[tilespmem:$0x1F800] =	vst v63  }
0x45: {  	_ =	swait.ge [sflag:s19], $0x2800  }
0x46: {  	[sflag:s19] =	ssyncset.done $0x0  }
0x47: {  	[sflag:s19] =	ssyncadd.s32 $0xFFFFD800  }
0x48: {  	[spmem:s3] =	stream.indirect.scatter.add.f32 [tilespmem:s17], [sflag:$0x3], $0x80, s23, s16, $0xb8;
	[tilespmem:$0x1F800] =	vst v63  }
0x49: {  	_ =	swait.ge [sflag:s20], $0x2800  }
0x4a: {  	[sflag:s20] =	ssyncset.done $0x0  }
0x4b: {  	[sflag:s20] =	ssyncadd.s32 $0xFFFFD800  }
0x4c: {  	_ =	swait.ge [sflag:s21], $0x2800  }
0x4d: {  	[sflag:s21] =	ssyncset.done $0x0  }
0x4e: {  	[sflag:s21] =	ssyncadd.s32 $0xFFFFD800  }
0x4f: {  	[spmem:s3] =	stream.indirect.scatter.add.f32 [tilespmem:s18], [sflag:$0x4], $0x80, s24, s16, $0xb8;
	[tilespmem:$0x1F800] =	vst v63  }
0x50: {  	_ =	swait.ge [sflag:s22], $0x2800  }
0x51: {  	s25 =	sadd.s32 $0x1, s25;
	[sflag:s22] =	ssyncset.done $0x0  }
0x52: {  	p0 =	sne.s32 s25, s10;
	[sflag:s22] =	ssyncadd.s32 $0xFFFFD800  }
.Ltmp1:
0x53: {  	[bflag:$0x0] =	sbarrier.arrive $0xFFFF;
	(pc) =	sbr.rel @p0 .LBB2_1-.Ltmp1, $4  }
0x54: {  	[hbm:s9], [sflag:s6] =	dma.local [spmem:s11], $0x2800  }
0x55: {  	_ =	swait.ge [sflag:s12], $0x2800  }
0x56: {  	[sflag:s12] =	ssyncset.done $0x0  }
0x57: {  	[sflag:s12] =	ssyncadd.s32 $0xFFFFD800  }
0x58: {  	_ =	sfence.sel $0x180000  }
0x59: {  	[bflag:$0x0] =	sbarrier.arrive $0xFFFF  }
0x5a: {  	p0 =	sne.s32 s0, $0x0;
	_ =	strace $0x9000004A  }
0x5b: {  	s0 =	sadd.s32 @!p0 $0x100000, s2;
	[bflag:$0x2] =	sbarrier.arrive $0xFFFF  }
0x5c: {  	[sflag:s0] =	ssyncadd.tile.s32 @!p0 $0x1;
	_ =	shalt  }
.Lfunc_end2:
_tile_overlayer_lowered:
.L_overlay_start_2:
0x5d: {  	(tag) =	ssettag $0x2  }
0x5e: {  	s0 =	rddreg [dreg:$0x0];
	s2 =	stileid.u32  }
0x5f: {  	s1 =	rddreg [dreg:$0x1];
	p0 =	sne.s32 s2, $0x0  }
0x60: {  	s3 =	rddreg [dreg:$0x2];
	[bflag:$0x3] =	sbarrier.arrive $0xFFFF;
	s2 =	simm.s32 @!p0 $0x1C05  }
0x61: {  	[timem:s3], [sflag:s2] =	dma.local @!p0 [hbm:s0], s1  }
0x62: {  	s0 =	simm.s32 @!p0 $0x5  }
0x63: {  	_ =	swait.ge @!p0 [sflag:s0], s1  }
0x64: {  	s1 =	ssub.s32 @!p0 $0x0, s1;
	[sflag:s0] =	ssyncset.done @!p0 $0x0  }
0x65: {  	[sflag:s0] =	ssyncadd.s32 @!p0 s1  }
0x66: {  	[bflag:$0x3] =	sbarrier.arrive $0xFFFF  }
0x67: {  	_ =	shalt  }

// kernel: kernel.14.cloned.1.call-start
scs
__scs_entry_jumppad:
0x0: {  	(pc) =	sbr.rel $0x88, $3  }
0x1: {  	(tag) =	ssettag $0x0;
	lr =	simm.s32 $0x1  }
0x2: {  	[smem:$0x3F9B] =	sst lr;
	_ =	strace $0xD0000000  }
0x3: {  	_ = 	snop  }
0x4: {  	_ = 	snop  }
0x5: {  	_ = 	snop  }
0x6: {  	_ = 	snop  }
0x7: {  	_ = 	snop  }
__scs_overlays_trampoline_lowered:
0x8: {  	[smem:$0x3FAA] =	sst s0  }
0x9: {  	[smem:$0x3FAB] =	sst s1  }
0xa: {  	[smem:$0x3FAC] =	sst s2  }
0xb: {  	[smem:$0x3FAD] =	sst s3  }
0xc: {  	[smem:$0x3FAE] =	sst s4  }
0xd: {  	[smem:$0x3FAF] =	sst s5  }
0xe: {  	[smem:$0x3FB0] =	sst s6  }
0xf: {  	[smem:$0x3FB1] =	sst s7  }
0x10: {  	[smem:$0x3FB2] =	sst s8  }
0x11: {  	[smem:$0x3FB3] =	sst s9;
	s0 =	simm.s32 @!p0 $0x0  }
0x12: {  	s1 =	sld [smem:$0x3F99];
	s0 =	simm.s32 @p0 $0x1  }
0x13: {  	[smem:$0x3FB4] =	sst s0;
	s0 =	simm.s32 @!p1 $0x0  }
0x14: {  	s2 =	sld [smem:$0x3F98];
	s0 =	simm.s32 @p1 $0x1  }
0x15: {  	[smem:$0x3FB5] =	sst s0;
	s0 =	simm.s32 @!p2 $0x0  }
0x16: {  	s3 =	sld [smem:$0x3FDB];
	s0 =	simm.s32 @p2 $0x1  }
0x17: {  	s4 =	simm.s32 $0x1BF5;
	[smem:$0x3FB7] =	sst s0  }
0x18: {  	s0 =	sld [smem:$0x3F9A];
	_ =	swait.ge [sflag:s4], $0x0  }
0x19: {  	s7 =	sld [smem:$0x3F9B]  }
0x1a: {  	s8 =	sadd.s32 $0xFFFFE003, lr  }
0x1b: {  	s9 =	sadd.s32 $0xFFFFFEF7, lr;
	s5 =	simm.s32 $0xFFFFFFFF;
	p2 =	slt.u32 s8, $0xFFFFF086  }
0x1c: {  	p1 =	slt.u32 s9, $0xF7A;
	s5 =	simm.s32 @!p2 $0x0  }
0x1d: {  	s5 =	simm.s32 @p1 $0x1;
	p0 =	seq.s32 s7, s2  }
0x1e: {  	s7 =	smul.u32 @!p0 $0xF7A, s2;
	p2 =	seq.s32 @!p0 s5, $0x0  }
0x1f: {  	s9 =	smul.u32 $0xF7A, s1;
	s8 =	simm.s32 @!p0 $0x1BF5;
	p2 =	por !p2, p0  }
0x20: {  	[sflag:s8] =	ssyncset.s32 @!p0 $0xFFFFF086;
	s6 =	sadd.s32 @!p0 s3, s7;
	s7 =	simm.s32 @!p0 $0x108  }
0x21: {  	s3 =	sadd.s32 s3, s9;
	s6 =	sadd.s32 @!p0 $0x88, s6;
	s7 =	simm.s32 @p2 $0x1082  }
0x22: {  	[simem:s7], [sflag:s8] =	dma.local @!p0 [hbm:s6], $0xF7A  }
0x23: {  	s9 =	sor.u32 $0xD0000000, s2;
	s6 =	simm.s32 $0x108;
	_ =	swait.ge @!p0 [sflag:s8], $0x0  }
0x24: {  	s3 =	sadd.s32 $0x88, s3;
	s6 =	simm.s32 @!p1 $0x1082;
	[sflag:s4] =	ssyncset.s32 $0xFFFFF086  }
0x25: {  	[simem:s6], [sflag:s4] =	dma.local [hbm:s3], $0xF7A  }
0x26: {  	[smem:$0x3F9B] =	sst s1;
	(tag) =	ssettag s2;
	_ =	strace s9  }
0x27: {  	s1 =	sld [smem:$0x3FAB]  }
0x28: {  	s2 =	sld [smem:$0x3FAC]  }
0x29: {  	s4 =	sld [smem:$0x3FAE]  }
0x2a: {  	p0 =	seq.s32 s5, $0x0;
	s5 =	sld [smem:$0x3FAF]  }
0x2b: {  	s6 =	sld [smem:$0x3FB0]  }
0x2c: {  	s7 =	sld [smem:$0x3FB1]  }
0x2d: {  	s3 =	simm.s32 $0x108;
	s8 =	sld [smem:$0x3FB2]  }
0x2e: {  	s3 =	simm.s32 @!p0 $0x1082;
	s9 =	sld [smem:$0x3FB3]  }
0x2f: {  	lr =	sadd.s32 s0, s3;
	s0 =	sld [smem:$0x3FAA]  }
0x30: {  	s3 =	sld [smem:$0x3FAD]  }
0x31: {  	[smem:$0x3FB6] =	sst s10  }
0x32: {  	s10 =	sld [smem:$0x3FB4];
	_ =	sdelay $0x3  }
0x33: {  	p0 =	seq.s32 s10, $0x1;
	s10 =	sld [smem:$0x3FB6];
	_ =	sdelay $0x3  }
0x34: {  	[smem:$0x3FB6] =	sst s10  }
0x35: {  	s10 =	sld [smem:$0x3FB5];
	_ =	sdelay $0x3  }
0x36: {  	p1 =	seq.s32 s10, $0x1;
	s10 =	sld [smem:$0x3FB6];
	_ =	sdelay $0x3  }
0x37: {  	[smem:$0x3FB6] =	sst s10  }
0x38: {  	s10 =	sld [smem:$0x3FB7]  }
0x39: {  	_ = 	snop;
	(pc) =	sbr.ind lr, $3  }
0x3a: {  	_ = 	snop  }
0x3b: {  	_ = 	snop  }
0x3c: {  	p2 =	seq.s32 s10, $0x1;
	s10 =	sld [smem:$0x3FB6]  }
0x3d: {  	_ =	shalt  }
0x3e: {  	_ =	shalt  }
0x3f: {  	_ =	shalt  }
0x40: {  	_ =	shalt  }
0x41: {  	_ =	shalt  }
0x42: {  	_ =	shalt  }
0x43: {  	_ =	shalt  }
0x44: {  	_ =	shalt  }
0x45: {  	_ =	shalt  }
0x46: {  	_ =	shalt  }
0x47: {  	_ =	shalt  }
0x48: {  	_ =	shalt  }
0x49: {  	_ =	shalt  }
0x4a: {  	_ =	shalt  }
0x4b: {  	_ =	shalt  }
0x4c: {  	_ =	shalt  }
0x4d: {  	_ =	shalt  }
0x4e: {  	_ =	shalt  }
0x4f: {  	_ =	shalt  }
0x50: {  	_ =	shalt  }
0x51: {  	_ =	shalt  }
0x52: {  	_ =	shalt  }
0x53: {  	_ =	shalt  }
0x54: {  	_ =	shalt  }
0x55: {  	_ =	shalt  }
0x56: {  	_ =	shalt  }
0x57: {  	_ =	shalt  }
0x58: {  	_ =	shalt  }
0x59: {  	_ =	shalt  }
0x5a: {  	_ =	shalt  }
0x5b: {  	_ =	shalt  }
0x5c: {  	_ =	shalt  }
0x5d: {  	_ =	shalt  }
0x5e: {  	_ =	shalt  }
0x5f: {  	_ =	shalt  }
0x60: {  	_ =	shalt  }
0x61: {  	_ =	shalt  }
0x62: {  	_ =	shalt  }
0x63: {  	_ =	shalt  }
0x64: {  	_ =	shalt  }
0x65: {  	_ =	shalt  }
0x66: {  	_ =	shalt  }
0x67: {  	_ =	shalt  }
0x68: {  	_ =	shalt  }
0x69: {  	_ =	shalt  }
0x6a: {  	_ =	shalt  }
0x6b: {  	_ =	shalt  }
0x6c: {  	_ =	shalt  }
0x6d: {  	_ =	shalt  }
0x6e: {  	_ =	shalt  }
0x6f: {  	_ =	shalt  }
0x70: {  	_ =	shalt  }
0x71: {  	_ =	shalt  }
0x72: {  	_ =	shalt  }
0x73: {  	_ =	shalt  }
0x74: {  	_ =	shalt  }
0x75: {  	_ =	shalt  }
0x76: {  	_ =	shalt  }
0x77: {  	_ =	shalt  }
0x78: {  	_ =	shalt  }
0x79: {  	_ =	shalt  }
0x7a: {  	_ =	shalt  }
0x7b: {  	_ =	shalt  }
0x7c: {  	_ =	shalt  }
0x7d: {  	_ =	shalt  }
0x7e: {  	_ =	shalt  }
0x7f: {  	_ =	shalt  }
0x80: {  	_ =	shalt  }
0x81: {  	_ =	shalt  }
0x82: {  	_ =	shalt  }
0x83: {  	_ =	shalt  }
0x84: {  	_ =	shalt  }
0x85: {  	_ =	shalt  }
0x86: {  	_ =	shalt  }
0x87: {  	_ =	shalt  }
.Lfunc_end0:
.L_simem_size_0:
called_computation.2_lowered:
.L_overlay_start_0:
0x88: {  	s2 =	sld [smem:$0x3FD9]  }
0x89: {  	s3 =	sld [smem:$0x3FFE];
	_ =	sdelay $0x1  }
0x8a: {  	s1 =	srdreg.scid  }
0x8b: {  	s0 =	sand.u32 $0x1, s1  }
0x8c: {  	s17 =	sshll.u32 s0, $0xA;
	s2 =	sadd.s32 s3, s2  }
0x8d: {  	s2 =	sadd.s32 s2, s17  }
0x8e: {  	[smem:$0x3FC2] =	sst s2  }
0x8f: {  	_ = 	snop  }
0x90: {  	s2 =	sld [smem:$0x3FD0];
	(tm) =	ssettm $0x1  }
0x91: {  	s18 =	sld [smem:$0x3FFB];
	_ =	sdelay $0x3  }
0x92: {  	_ =	strace s18  }
0x93: {  	s3 =	sld [smem:$0x3FFC];
	_ =	sdelay $0x3  }
0x94: {  	_ =	strace s3  }
0x95: {  	s3 =	sld [smem:$0x3FFD];
	_ =	sdelay $0x3  }
0x96: {  	_ =	strace s3  }
0x97: {  	_ =	strace $0x8FFFFFFF  }
0x98: {  	s19 =	sld [smem:$0x3FDB];
	_ =	sdelay $0x1  }
0x99: {  	s4 =	simm.s32 $_scs_section_size  }
0x9a: {  	s5 =	simm.s32 $_size__tile_overlayer_lowered;
	s6 =	simm.s32 $_tile_overlayer_lowered  }
0x9b: {  	s22 =	simm.s32 $0x1BFF;
	s21 =	sshll.u32 s6, $0x1;
	s3 =	sadd.s32 s4, s19  }
0x9c: {  	s7 =	simm.s32 $0x0;
	s20 =	sshll.u32 s5, $0x1;
	s5 =	sadd.s32 s21, s3  }
0x9d: {  	[timem:s7], [sflag:s22] =	dma.local [hbm:s5], s20  }
0x9e: {  	_ =	swait.ge [sflag:s22], s20  }
0x9f: {  	s4 =	ssub.s32 $0x0, s20;
	[sflag:s22] =	ssyncset.done $0x0  }
0xa0: {  	[sflag:s22] =	ssyncadd.s32 s4;
	_ =	sdelay $0x1  }
0xa1: {  	s23 =	simm.s32 $0x1B8B  }
0xa2: {  	_ =	swait.ge [sflag:s23], $0x1  }
0xa3: {  	[sflag:s23] =	ssyncset.done $0x0  }
0xa4: {  	s25 =	simm.s32 $0x1B8E;
	s24 =	sld [smem:$0x3FFE];
	[sflag:s23] =	ssyncadd.s32 $0xFFFFFFFF  }
0xa5: {  	s26 =	simm.s32 $execute0_lowered;
	[smem:$0x3FD2] =	sst s25  }
0xa6: {  	s5 =	sshll.u32 s26, $0x1;
	_ =	strace $0x8000004C;
	[dreg:$0x1] =	wrdreg $0xFFFFFFFF  }
0xa7: {  	s28 =	simm.s32 $_size_execute0_lowered;
	s3 =	sadd.s32 s3, s5;
	[dreg:$0x0] =	wrdreg $0x0  }
0xa8: {  	s5 =	sshll.u32 s28, $0x1;
	[dreg:$0x2] =	wrdreg s3  }
0xa9: {  	[dreg:$0x3] =	wrdreg s5  }
0xaa: {  	[dreg:$0x4] =	wrdreg $0xC0  }
0xab: {  	_ =	task [dreg:s7], $0x5FFFF  }
0xac: {  	[dreg:$0x1] =	wrdreg $0xFFFFFFFF  }
0xad: {  	[dreg:$0x0] =	wrdreg $0x60  }
0xae: {  	[dreg:$0x2] =	wrdreg s2  }
0xaf: {  	[dreg:$0x3] =	wrdreg s24  }
0xb0: {  	[dreg:$0x4] =	wrdreg $0xB8000  }
0xb1: {  	[dreg:$0x5] =	wrdreg $0x9  }
0xb2: {  	_ =	task.clear_ibuf [dreg:s7], $0x6FFFF;
	_ =	strace $0x9000004C  }
0xb3: {  	s29 =	simm.s32 $0x9;
	_ =	strace $0x8000004E  }
0xb4: {  	_ =	swait.ge [sflag:s29], $0x1  }
0xb5: {  	[sflag:s29] =	ssyncadd.s32 $0xFFFFFFFF  }
0xb6: {  	_ =	strace $0x9000004E  }
0xb7: {  	_ =	sfence  }
0xb8: {  	s30 =	sld [smem:$0x0];
	_ =	sdelay $0x2  }
0xb9: {  	s31 =	sshll.u32 s1, $0xD;
	s1 =	sshrl.u32 s1, $0x2  }
0xba: {  	s3 =	sand.u32 $0x4000, s31;
	s1 =	sadd.s32 s1, s30  }
0xbb: {  	s0 =	sor.u32 s3, s0;
	s1 =	sshll.u32 s1, $0x11  }
0xbc: {  	s0 =	sor.u32 s1, s0  }
0xbd: {  	s0 =	sadd.s32 $0x8F2B, s0  }
0xbe: {  	[sflag:s0] =	ssyncadd.remote.s32 $0x1  }
0xbf: {  	_ =	sfence.sel $0xFFFF  }
0xc0: {  	[dreg:$0x0] =	wrdreg $0xFFFFFFFF;
	(pc) =	sbr.abs _section_cstart, $3  }
0xc1: {  	[dreg:$0x1] =	wrdreg $0xFFFFFFFF  }
0xc2: {  	_ =	task.clear_ibuf [dreg:s7], $0x2FFFF;
	_ =	strace $0x9FFFFFFF  }
0xc3: {  	(tm) =	ssettm $0x7FFFFFFF  }
tec
execute0_lowered:
.L_overlay_start_1:
0x0: {  	(tag) =	ssettag $0x1  }
0x1: {  	s1 =	rddreg [dreg:$0x0]  }
0x2: {  	s0 =	srdreg.scid;
	s6 =	rddreg [dreg:$0x1]  }
0x3: {  	s3 =	rddreg [dreg:$0x2];
	s14 =	simm.s32 $0x400;
	s15 =	simm.s32 $0x2800  }
0x4: {  	s16 =	simm.s32 $0x50;
	s17 =	simm.s32 $0x6800;
	s18 =	simm.s32 $0x9000  }
0x5: {  	s19 =	simm.s32 $0x1;
	s20 =	simm.s32 $0x3;
	s21 =	simm.s32 $0x2  }
0x6: {  	s22 =	simm.s32 $0x4;
	s23 =	simm.s32 $0x6700;
	s24 =	simm.s32 $0x6780  }
0x7: {  	s25 =	simm.s32 $0x0;
	s5 =	sand.u32 $0x1, s0;
	s0 =	stileid.u32  }
0x8: {  	s2 =	sshll.u32 s5, $0x4;
	s8 =	sshll.u32 s0, $0x7;
	s9 =	smul.u32 $0x140000, s5  }
0x9: {  	s26 =	smul.u32 $0x14000, s0;
	s10 =	sshll.u32 s0, $0xB;
	s28 =	ssub.s32 $0x2, s5  }
0xa: {  	s11 =	smul.u32 $0x50000, s0;
	s5 =	sadd.s32 $0x3000, s6;
	s31 =	sshll.u32 s0, $0x6  }
0xb: {  	s2 =	sor.u32 s0, s2;
	s8 =	sand.u32 $0x380, s8;
	s10 =	sadd.s32 s10, s6  }
0xc: {  	s29 =	sshrl.u32 s28, $0x1;
	s4 =	sshrl.u32 s2, $0x3;
	s2 =	rddreg [dreg:$0x3]  }
0xd: {  	s30 =	sshrl.u32 s11, $0x2;
	s7 =	smul.u32 $0x14000, s4;
	s4 =	simm.s32 $0x0  }
0xe: {  	s13 =	ssub.s32 s28, s29;
	s11 =	sadd.s32 s30, s3;
	[smem:$0x7FF] =	sst s4  }
0xf: {  	s11 =	sshrl.u32 s11, $0x3;
	s7 =	sor.u32 s8, s7;
	s8 =	sadd.s32 s26, s9  }
0x10: {  	_ =	strace $0x8000004D;
	s7 =	sshrl.u32 s7, $0x3;
	s8 =	sshrl.u32 s8, $0x3  }
0x11: {  	s7 =	sadd.s32 s7, s6;
	s12 =	sadd.s32 s8, s6;
	s6 =	sor.u32 $0x1C05, s31  }
0x12: {  	s8 =	sadd.s32 $0x55800, s10;
	s10 =	smax.u32 s13, $0x1;
	s13 =	simm.s32 $0x80  }
0x13: {  	s7 =	sadd.s32 $0x5D800, s7;
	s9 =	sadd.s32 $0x67800, s12;
	s12 =	simm.s32 $0x5  }
.LBB2_1:
0x14: {  	[spmem:s11], [sflag:s6] =	dma.local [hbm:s5], $0x2800  }
0x15: {  	_ =	swait.ge [sflag:s12], $0x2800  }
0x16: {  	[sflag:s12] =	ssyncset.done $0x0  }
0x17: {  	[sflag:s12] =	ssyncadd.s32 $0xFFFFD800  }
0x18: {  	[tilespmem:s4], [sflag:$0x5] =	stream.strided.gather [hbm4b:s7+s13], $0x2800, s14, s13, $0x38;
	[tilespmem:$0x1F800] =	vst v63  }
0x19: {  	_ =	swait.ge [sflag:s12], $0x2800  }
0x1a: {  	[sflag:s12] =	ssyncset.done $0x0  }
0x1b: {  	[sflag:s12] =	ssyncadd.s32 $0xFFFFD800  }
0x1c: {  	[tilespmem:s15], [sflag:$0x5] =	stream.linear.gather [hbm4b:s8+s4], $0x4000, $0x38;
	[tilespmem:$0x1F800] =	vst v63  }
0x1d: {  	_ =	swait.ge [sflag:s12], $0x4000  }
0x1e: {  	[sflag:s12] =	ssyncset.done $0x0  }
0x1f: {  	[sflag:s12] =	ssyncadd.s32 $0xFFFFC000  }
0x20: {  	[bflag:$0x0] =	sbarrier.arrive $0xFFFF  }
0x21: {  	[tilespmem:s17], [sflag:$0x1] =	stream.indirect.gather [hbm4b:s1+s16], $0x80, s4, s16, $0xb8;
	[tilespmem:$0x1F800] =	vst v63  }
0x22: {  	_ = 	snop  }
0x23: {  	[tilespmem:s18], [sflag:$0x2] =	stream.indirect.gather [hbm4b:s1+s16], $0x80, s16, s16, $0xb8;
	[tilespmem:$0x1F800] =	vst v63  }
0x24: {  	_ =	swait.ge [sflag:s19], $0x2800  }
0x25: {  	[sflag:s19] =	ssyncset.done $0x0  }
0x26: {  	s26 =	simm.s32 $0x2800;
	[sflag:s19] =	ssyncadd.s32 $0xFFFFD800  }
0x27: {  	[spmem:s3] =	stream.indirect.scatter.add.f32 [tilespmem:s17], [sflag:$0x3], $0x80, s26, s16, $0xb8;
	[tilespmem:$0x1F800] =	vst v63  }
0x28: {  	_ =	swait.ge [sflag:s20], $0x2800  }
0x29: {  	[sflag:s20] =	ssyncset.done $0x0  }
0x2a: {  	s30 =	simm.s32 $0xA0;
	[sflag:s20] =	ssyncadd.s32 $0xFFFFD800  }
0x2b: {  	[tilespmem:s17], [sflag:$0x1] =	stream.indirect.gather [hbm4b:s1+s16], $0x80, s30, s16, $0xb8;
	[tilespmem:$0x1F800] =	vst v63  }
0x2c: {  	_ =	swait.ge [sflag:s21], $0x2800  }
0x2d: {  	[sflag:s21] =	ssyncset.done $0x0  }
0x2e: {  	s31 =	simm.s32 $0x2880;
	[sflag:s21] =	ssyncadd.s32 $0xFFFFD800  }
0x2f: {  	[spmem:s3] =	stream.indirect.scatter.add.f32 [tilespmem:s18], [sflag:$0x4], $0x80, s31, s16, $0xb8;
	[tilespmem:$0x1F800] =	vst v63  }
0x30: {  	_ =	swait.ge [sflag:s22], $0x2800  }
0x31: {  	s28 =	simm.s32 $0x400;
	[sflag:s22] =	ssyncset.done $0x0  }
0x32: {  	s29 =	simm.s32 $0x190;
	s26 =	simm.s32 $0xF0;
	[sflag:s22] =	ssyncadd.s32 $0xFFFFD800  }
.LBB2_2:
0x33: {  	[tilespmem:s18], [sflag:$0x2] =	stream.indirect.gather [hbm4b:s1+s16], $0x80, s26, s16, $0xb8;
	[tilespmem:$0x1F800] =	vst v63  }
0x34: {  	s30 =	smov.u32 s28;
	s26 =	smov.u32 s29  }
0x35: {  	p0 =	sne.s32 s28, $0xF800;
	s28 =	sadd.s32 $0x400, s28;
	_ =	swait.ge [sflag:s19], $0x2800  }
0x36: {  	s30 =	sshra.s32 s30, $0x2;
	[sflag:s19] =	ssyncset.done $0x0  }
0x37: {  	s31 =	sadd.s32 $0x2800, s30;
	[sflag:s19] =	ssyncadd.s32 $0xFFFFD800  }
0x38: {  	[spmem:s3] =	stream.indirect.scatter.add.f32 [tilespmem:s17], [sflag:$0x3], $0x80, s31, s16, $0xb8;
	[tilespmem:$0x1F800] =	vst v63  }
0x39: {  	_ =	swait.ge [sflag:s20], $0x2800  }
0x3a: {  	[sflag:s20] =	ssyncset.done $0x0  }
0x3b: {  	s31 =	sadd.s32 $0xFFFFFFB0, s29;
	[sflag:s20] =	ssyncadd.s32 $0xFFFFD800  }
0x3c: {  	[tilespmem:s17], [sflag:$0x1] =	stream.indirect.gather [hbm4b:s1+s16], $0x80, s31, s16, $0xb8;
	[tilespmem:$0x1F800] =	vst v63  }
0x3d: {  	_ =	swait.ge [sflag:s21], $0x2800  }
0x3e: {  	[sflag:s21] =	ssyncset.done $0x0  }
.Ltmp0:
0x3f: {  	s30 =	sadd.s32 $0x2880, s30;
	[sflag:s21] =	ssyncadd.s32 $0xFFFFD800;
	(pc) =	sbr.rel @p0 .LBB2_2-.Ltmp0, $4  }
0x40: {  	[spmem:s3] =	stream.indirect.scatter.add.f32 [tilespmem:s18], [sflag:$0x4], $0x80, s30, s16, $0xb8;
	[tilespmem:$0x1F800] =	vst v63  }
0x41: {  	_ =	swait.ge [sflag:s22], $0x2800  }
0x42: {  	[sflag:s22] =	ssyncset.done $0x0  }
0x43: {  	s29 =	sadd.s32 $0xA0, s29;
	[sflag:s22] =	ssyncadd.s32 $0xFFFFD800  }
0x44: {  	[tilespmem:s18], [sflag:$0x2] =	stream.indirect.gather [hbm4b:s1+s16], $0x80, s26, s16, $0xb8;
	[tilespmem:$0x1F800] =	vst v63  }
0x45: {  	_ =	swait.ge [sflag:s19], $0x2800  }
0x46: {  	[sflag:s19] =	ssyncset.done $0x0  }
0x47: {  	[sflag:s19] =	ssyncadd.s32 $0xFFFFD800  }
0x48: {  	[spmem:s3] =	stream.indirect.scatter.add.f32 [tilespmem:s17], [sflag:$0x3], $0x80, s23, s16, $0xb8;
	[tilespmem:$0x1F800] =	vst v63  }
0x49: {  	_ =	swait.ge [sflag:s20], $0x2800  }
0x4a: {  	[sflag:s20] =	ssyncset.done $0x0  }
0x4b: {  	[sflag:s20] =	ssyncadd.s32 $0xFFFFD800  }
0x4c: {  	_ =	swait.ge [sflag:s21], $0x2800  }
0x4d: {  	[sflag:s21] =	ssyncset.done $0x0  }
0x4e: {  	[sflag:s21] =	ssyncadd.s32 $0xFFFFD800  }
0x4f: {  	[spmem:s3] =	stream.indirect.scatter.add.f32 [tilespmem:s18], [sflag:$0x4], $0x80, s24, s16, $0xb8;
	[tilespmem:$0x1F800] =	vst v63  }
0x50: {  	_ =	swait.ge [sflag:s22], $0x2800  }
0x51: {  	s25 =	sadd.s32 $0x1, s25;
	[sflag:s22] =	ssyncset.done $0x0  }
0x52: {  	p0 =	sne.s32 s25, s10;
	[sflag:s22] =	ssyncadd.s32 $0xFFFFD800  }
.Ltmp1:
0x53: {  	[bflag:$0x0] =	sbarrier.arrive $0xFFFF;
	(pc) =	sbr.rel @p0 .LBB2_1-.Ltmp1, $4  }
0x54: {  	[hbm:s9], [sflag:s6] =	dma.local [spmem:s11], $0x2800  }
0x55: {  	_ =	swait.ge [sflag:s12], $0x2800  }
0x56: {  	[sflag:s12] =	ssyncset.done $0x0  }
0x57: {  	[sflag:s12] =	ssyncadd.s32 $0xFFFFD800  }
0x58: {  	_ =	sfence.sel $0x180000  }
0x59: {  	[bflag:$0x0] =	sbarrier.arrive $0xFFFF  }
0x5a: {  	p0 =	sne.s32 s0, $0x0;
	_ =	strace $0x9000004D  }
0x5b: {  	s0 =	sadd.s32 @!p0 $0x100000, s2;
	[bflag:$0x2] =	sbarrier.arrive $0xFFFF  }
0x5c: {  	[sflag:s0] =	ssyncadd.tile.s32 @!p0 $0x1;
	_ =	shalt  }
.Lfunc_end2:
_tile_overlayer_lowered:
.L_overlay_start_2:
0x5d: {  	(tag) =	ssettag $0x2  }
0x5e: {  	s0 =	rddreg [dreg:$0x0];
	s2 =	stileid.u32  }
0x5f: {  	s1 =	rddreg [dreg:$0x1];
	p0 =	sne.s32 s2, $0x0  }
0x60: {  	s3 =	rddreg [dreg:$0x2];
	[bflag:$0x3] =	sbarrier.arrive $0xFFFF;
	s2 =	simm.s32 @!p0 $0x1C05  }
0x61: {  	[timem:s3], [sflag:s2] =	dma.local @!p0 [hbm:s0], s1  }
0x62: {  	s0 =	simm.s32 @!p0 $0x5  }
0x63: {  	_ =	swait.ge @!p0 [sflag:s0], s1  }
0x64: {  	s1 =	ssub.s32 @!p0 $0x0, s1;
	[sflag:s0] =	ssyncset.done @!p0 $0x0  }
0x65: {  	[sflag:s0] =	ssyncadd.s32 @!p0 s1  }
0x66: {  	[bflag:$0x3] =	sbarrier.arrive $0xFFFF  }
0x67: {  	_ =	shalt  }

// kernel: kernel.8.cloned.1.call-start
scs
__scs_entry_jumppad:
0x0: {  	(pc) =	sbr.rel $0x88, $3  }
0x1: {  	(tag) =	ssettag $0x0;
	lr =	simm.s32 $0x1  }
0x2: {  	[smem:$0x3F9B] =	sst lr;
	_ =	strace $0xD0000000  }
0x3: {  	_ = 	snop  }
0x4: {  	_ = 	snop  }
0x5: {  	_ = 	snop  }
0x6: {  	_ = 	snop  }
0x7: {  	_ = 	snop  }
__scs_overlays_trampoline_lowered:
0x8: {  	[smem:$0x3FAA] =	sst s0  }
0x9: {  	[smem:$0x3FAB] =	sst s1  }
0xa: {  	[smem:$0x3FAC] =	sst s2  }
0xb: {  	[smem:$0x3FAD] =	sst s3  }
0xc: {  	[smem:$0x3FAE] =	sst s4  }
0xd: {  	[smem:$0x3FAF] =	sst s5  }
0xe: {  	[smem:$0x3FB0] =	sst s6  }
0xf: {  	[smem:$0x3FB1] =	sst s7  }
0x10: {  	[smem:$0x3FB2] =	sst s8  }
0x11: {  	[smem:$0x3FB3] =	sst s9;
	s0 =	simm.s32 @!p0 $0x0  }
0x12: {  	s1 =	sld [smem:$0x3F99];
	s0 =	simm.s32 @p0 $0x1  }
0x13: {  	[smem:$0x3FB4] =	sst s0;
	s0 =	simm.s32 @!p1 $0x0  }
0x14: {  	s2 =	sld [smem:$0x3F98];
	s0 =	simm.s32 @p1 $0x1  }
0x15: {  	[smem:$0x3FB5] =	sst s0;
	s0 =	simm.s32 @!p2 $0x0  }
0x16: {  	s3 =	sld [smem:$0x3FDB];
	s0 =	simm.s32 @p2 $0x1  }
0x17: {  	s4 =	simm.s32 $0x1BF5;
	[smem:$0x3FB7] =	sst s0  }
0x18: {  	s0 =	sld [smem:$0x3F9A];
	_ =	swait.ge [sflag:s4], $0x0  }
0x19: {  	s7 =	sld [smem:$0x3F9B]  }
0x1a: {  	s8 =	sadd.s32 $0xFFFFE003, lr  }
0x1b: {  	s9 =	sadd.s32 $0xFFFFFEF7, lr;
	s5 =	simm.s32 $0xFFFFFFFF;
	p2 =	slt.u32 s8, $0xFFFFF086  }
0x1c: {  	p1 =	slt.u32 s9, $0xF7A;
	s5 =	simm.s32 @!p2 $0x0  }
0x1d: {  	s5 =	simm.s32 @p1 $0x1;
	p0 =	seq.s32 s7, s2  }
0x1e: {  	s7 =	smul.u32 @!p0 $0xF7A, s2;
	p2 =	seq.s32 @!p0 s5, $0x0  }
0x1f: {  	s9 =	smul.u32 $0xF7A, s1;
	s8 =	simm.s32 @!p0 $0x1BF5;
	p2 =	por !p2, p0  }
0x20: {  	[sflag:s8] =	ssyncset.s32 @!p0 $0xFFFFF086;
	s6 =	sadd.s32 @!p0 s3, s7;
	s7 =	simm.s32 @!p0 $0x108  }
0x21: {  	s3 =	sadd.s32 s3, s9;
	s6 =	sadd.s32 @!p0 $0x88, s6;
	s7 =	simm.s32 @p2 $0x1082  }
0x22: {  	[simem:s7], [sflag:s8] =	dma.local @!p0 [hbm:s6], $0xF7A  }
0x23: {  	s9 =	sor.u32 $0xD0000000, s2;
	s6 =	simm.s32 $0x108;
	_ =	swait.ge @!p0 [sflag:s8], $0x0  }
0x24: {  	s3 =	sadd.s32 $0x88, s3;
	s6 =	simm.s32 @!p1 $0x1082;
	[sflag:s4] =	ssyncset.s32 $0xFFFFF086  }
0x25: {  	[simem:s6], [sflag:s4] =	dma.local [hbm:s3], $0xF7A  }
0x26: {  	[smem:$0x3F9B] =	sst s1;
	(tag) =	ssettag s2;
	_ =	strace s9  }
0x27: {  	s1 =	sld [smem:$0x3FAB]  }
0x28: {  	s2 =	sld [smem:$0x3FAC]  }
0x29: {  	s4 =	sld [smem:$0x3FAE]  }
0x2a: {  	p0 =	seq.s32 s5, $0x0;
	s5 =	sld [smem:$0x3FAF]  }
0x2b: {  	s6 =	sld [smem:$0x3FB0]  }
0x2c: {  	s7 =	sld [smem:$0x3FB1]  }
0x2d: {  	s3 =	simm.s32 $0x108;
	s8 =	sld [smem:$0x3FB2]  }
0x2e: {  	s3 =	simm.s32 @!p0 $0x1082;
	s9 =	sld [smem:$0x3FB3]  }
0x2f: {  	lr =	sadd.s32 s0, s3;
	s0 =	sld [smem:$0x3FAA]  }
0x30: {  	s3 =	sld [smem:$0x3FAD]  }
0x31: {  	[smem:$0x3FB6] =	sst s10  }
0x32: {  	s10 =	sld [smem:$0x3FB4];
	_ =	sdelay $0x3  }
0x33: {  	p0 =	seq.s32 s10, $0x1;
	s10 =	sld [smem:$0x3FB6];
	_ =	sdelay $0x3  }
0x34: {  	[smem:$0x3FB6] =	sst s10  }
0x35: {  	s10 =	sld [smem:$0x3FB5];
	_ =	sdelay $0x3  }
0x36: {  	p1 =	seq.s32 s10, $0x1;
	s10 =	sld [smem:$0x3FB6];
	_ =	sdelay $0x3  }
0x37: {  	[smem:$0x3FB6] =	sst s10  }
0x38: {  	s10 =	sld [smem:$0x3FB7]  }
0x39: {  	_ = 	snop;
	(pc) =	sbr.ind lr, $3  }
0x3a: {  	_ = 	snop  }
0x3b: {  	_ = 	snop  }
0x3c: {  	p2 =	seq.s32 s10, $0x1;
	s10 =	sld [smem:$0x3FB6]  }
0x3d: {  	_ =	shalt  }
0x3e: {  	_ =	shalt  }
0x3f: {  	_ =	shalt  }
0x40: {  	_ =	shalt  }
0x41: {  	_ =	shalt  }
0x42: {  	_ =	shalt  }
0x43: {  	_ =	shalt  }
0x44: {  	_ =	shalt  }
0x45: {  	_ =	shalt  }
0x46: {  	_ =	shalt  }
0x47: {  	_ =	shalt  }
0x48: {  	_ =	shalt  }
0x49: {  	_ =	shalt  }
0x4a: {  	_ =	shalt  }
0x4b: {  	_ =	shalt  }
0x4c: {  	_ =	shalt  }
0x4d: {  	_ =	shalt  }
0x4e: {  	_ =	shalt  }
0x4f: {  	_ =	shalt  }
0x50: {  	_ =	shalt  }
0x51: {  	_ =	shalt  }
0x52: {  	_ =	shalt  }
0x53: {  	_ =	shalt  }
0x54: {  	_ =	shalt  }
0x55: {  	_ =	shalt  }
0x56: {  	_ =	shalt  }
0x57: {  	_ =	shalt  }
0x58: {  	_ =	shalt  }
0x59: {  	_ =	shalt  }
0x5a: {  	_ =	shalt  }
0x5b: {  	_ =	shalt  }
0x5c: {  	_ =	shalt  }
0x5d: {  	_ =	shalt  }
0x5e: {  	_ =	shalt  }
0x5f: {  	_ =	shalt  }
0x60: {  	_ =	shalt  }
0x61: {  	_ =	shalt  }
0x62: {  	_ =	shalt  }
0x63: {  	_ =	shalt  }
0x64: {  	_ =	shalt  }
0x65: {  	_ =	shalt  }
0x66: {  	_ =	shalt  }
0x67: {  	_ =	shalt  }
0x68: {  	_ =	shalt  }
0x69: {  	_ =	shalt  }
0x6a: {  	_ =	shalt  }
0x6b: {  	_ =	shalt  }
0x6c: {  	_ =	shalt  }
0x6d: {  	_ =	shalt  }
0x6e: {  	_ =	shalt  }
0x6f: {  	_ =	shalt  }
0x70: {  	_ =	shalt  }
0x71: {  	_ =	shalt  }
0x72: {  	_ =	shalt  }
0x73: {  	_ =	shalt  }
0x74: {  	_ =	shalt  }
0x75: {  	_ =	shalt  }
0x76: {  	_ =	shalt  }
0x77: {  	_ =	shalt  }
0x78: {  	_ =	shalt  }
0x79: {  	_ =	shalt  }
0x7a: {  	_ =	shalt  }
0x7b: {  	_ =	shalt  }
0x7c: {  	_ =	shalt  }
0x7d: {  	_ =	shalt  }
0x7e: {  	_ =	shalt  }
0x7f: {  	_ =	shalt  }
0x80: {  	_ =	shalt  }
0x81: {  	_ =	shalt  }
0x82: {  	_ =	shalt  }
0x83: {  	_ =	shalt  }
0x84: {  	_ =	shalt  }
0x85: {  	_ =	shalt  }
0x86: {  	_ =	shalt  }
0x87: {  	_ =	shalt  }
.Lfunc_end0:
.L_simem_size_0:
called_computation_lowered:
.L_overlay_start_0:
0x88: {  	s2 =	sld [smem:$0x3FD9]  }
0x89: {  	s3 =	sld [smem:$0x3FFE];
	_ =	sdelay $0x1  }
0x8a: {  	s1 =	srdreg.scid  }
0x8b: {  	s0 =	sand.u32 $0x1, s1  }
0x8c: {  	s17 =	sshll.u32 s0, $0xA;
	s2 =	sadd.s32 s3, s2  }
0x8d: {  	s2 =	sadd.s32 s2, s17  }
0x8e: {  	[smem:$0x3FC2] =	sst s2  }
0x8f: {  	_ = 	snop  }
0x90: {  	s2 =	sld [smem:$0x3FD0];
	(tm) =	ssettm $0x1  }
0x91: {  	s18 =	sld [smem:$0x3FFB];
	_ =	sdelay $0x3  }
0x92: {  	_ =	strace s18  }
0x93: {  	s3 =	sld [smem:$0x3FFC];
	_ =	sdelay $0x3  }
0x94: {  	_ =	strace s3  }
0x95: {  	s3 =	sld [smem:$0x3FFD];
	_ =	sdelay $0x3  }
0x96: {  	_ =	strace s3  }
0x97: {  	_ =	strace $0x8FFFFFFF  }
0x98: {  	s19 =	sld [smem:$0x3FDB];
	_ =	sdelay $0x1  }
0x99: {  	s4 =	simm.s32 $_scs_section_size  }
0x9a: {  	s5 =	simm.s32 $_size__tile_overlayer_lowered;
	s6 =	simm.s32 $_tile_overlayer_lowered  }
0x9b: {  	s22 =	simm.s32 $0x1BFF;
	s21 =	sshll.u32 s6, $0x1;
	s3 =	sadd.s32 s4, s19  }
0x9c: {  	s7 =	simm.s32 $0x0;
	s20 =	sshll.u32 s5, $0x1;
	s5 =	sadd.s32 s21, s3  }
0x9d: {  	[timem:s7], [sflag:s22] =	dma.local [hbm:s5], s20  }
0x9e: {  	_ =	swait.ge [sflag:s22], s20  }
0x9f: {  	s4 =	ssub.s32 $0x0, s20;
	[sflag:s22] =	ssyncset.done $0x0  }
0xa0: {  	[sflag:s22] =	ssyncadd.s32 s4;
	_ =	sdelay $0x1  }
0xa1: {  	s23 =	simm.s32 $0x1B8B  }
0xa2: {  	_ =	swait.ge [sflag:s23], $0x1  }
0xa3: {  	[sflag:s23] =	ssyncset.done $0x0  }
0xa4: {  	s25 =	simm.s32 $0x1B8E;
	s24 =	sld [smem:$0x3FFE];
	[sflag:s23] =	ssyncadd.s32 $0xFFFFFFFF  }
0xa5: {  	s26 =	simm.s32 $execute0_lowered;
	[smem:$0x3FD2] =	sst s25  }
0xa6: {  	s5 =	sshll.u32 s26, $0x1;
	_ =	strace $0x80000046;
	[dreg:$0x1] =	wrdreg $0xFFFFFFFF  }
0xa7: {  	s28 =	simm.s32 $_size_execute0_lowered;
	s3 =	sadd.s32 s3, s5;
	[dreg:$0x0] =	wrdreg $0x0  }
0xa8: {  	s5 =	sshll.u32 s28, $0x1;
	[dreg:$0x2] =	wrdreg s3  }
0xa9: {  	[dreg:$0x3] =	wrdreg s5  }
0xaa: {  	[dreg:$0x4] =	wrdreg $0xC0  }
0xab: {  	_ =	task [dreg:s7], $0x5FFFF  }
0xac: {  	[dreg:$0x1] =	wrdreg $0xFFFFFFFF  }
0xad: {  	[dreg:$0x0] =	wrdreg $0x60  }
0xae: {  	[dreg:$0x2] =	wrdreg s2  }
0xaf: {  	[dreg:$0x3] =	wrdreg s24  }
0xb0: {  	[dreg:$0x4] =	wrdreg $0x54000  }
0xb1: {  	[dreg:$0x5] =	wrdreg $0x9  }
0xb2: {  	_ =	task.clear_ibuf [dreg:s7], $0x6FFFF;
	_ =	strace $0x90000046  }
0xb3: {  	s29 =	simm.s32 $0x9;
	_ =	strace $0x80000048  }
0xb4: {  	_ =	swait.ge [sflag:s29], $0x1  }
0xb5: {  	[sflag:s29] =	ssyncadd.s32 $0xFFFFFFFF  }
0xb6: {  	_ =	strace $0x90000048  }
0xb7: {  	_ =	sfence  }
0xb8: {  	s30 =	sld [smem:$0x0];
	_ =	sdelay $0x2  }
0xb9: {  	s31 =	sshll.u32 s1, $0xD;
	s1 =	sshrl.u32 s1, $0x2  }
0xba: {  	s3 =	sand.u32 $0x4000, s31;
	s1 =	sadd.s32 s1, s30  }
0xbb: {  	s0 =	sor.u32 s3, s0;
	s1 =	sshll.u32 s1, $0x11  }
0xbc: {  	s0 =	sor.u32 s1, s0  }
0xbd: {  	s0 =	sadd.s32 $0x8F2B, s0  }
0xbe: {  	[sflag:s0] =	ssyncadd.remote.s32 $0x1  }
0xbf: {  	_ =	sfence.sel $0xFFFF  }
0xc0: {  	[dreg:$0x0] =	wrdreg $0xFFFFFFFF;
	(pc) =	sbr.abs _section_cstart, $3  }
0xc1: {  	[dreg:$0x1] =	wrdreg $0xFFFFFFFF  }
0xc2: {  	_ =	task.clear_ibuf [dreg:s7], $0x2FFFF;
	_ =	strace $0x9FFFFFFF  }
0xc3: {  	(tm) =	ssettm $0x7FFFFFFF  }
tec
execute0_lowered:
.L_overlay_start_1:
0x0: {  	(tag) =	ssettag $0x1  }
0x1: {  	s0 =	rddreg [dreg:$0x0]  }
0x2: {  	s2 =	rddreg [dreg:$0x1]  }
0x3: {  	s1 =	rddreg [dreg:$0x2];
	s3 =	srdreg.scid  }
0x4: {  	s11 =	stileid.u32;
	s12 =	simm.s32 $0x1400;
	s13 =	simm.s32 $0x80  }
0x5: {  	s17 =	simm.s32 $0xC00;
	s18 =	simm.s32 $0xC80;
	s19 =	simm.s32 $0xD00  }
0x6: {  	s20 =	simm.s32 $0xD80;
	s21 =	simm.s32 $0xE00;
	s22 =	simm.s32 $0xE80  }
0x7: {  	s28 =	simm.s32 $0x1100;
	s29 =	simm.s32 $0x1180;
	s30 =	simm.s32 $0x1200  }
0x8: {  	s31 =	simm.s32 $0x1280;
	s14 =	simm.s32 $0x1;
	s15 =	simm.s32 $0x0  }
0x9: {  	s6 =	sand.u32 $0x1, s3;
	s3 =	simm.s32 $0x0;
	s8 =	smul.u32 $0x14000, s11  }
0xa: {  	s4 =	sadd.s32 $0x2800, s2;
	s5 =	sadd.s32 $0x3000, s2;
	s23 =	smul.u32 $0x50000, s11  }
0xb: {  	s26 =	sshll.u32 s11, $0x6;
	s7 =	smul.u32 $0x140000, s6;
	[smem:$0x7FF] =	sst s3  }
0xc: {  	s9 =	sshll.u32 s6, $0x4;
	s6 =	ssub.s32 $0x2, s6;
	_ =	strace $0x80000047  }
0xd: {  	s24 =	sor.u32 s11, s9;
	s25 =	sshrl.u32 s6, $0x1;
	s11 =	simm.s32 $0x2  }
0xe: {  	s7 =	sadd.s32 s8, s7;
	s8 =	sshrl.u32 s23, $0x2;
	s9 =	ssub.s32 s6, s25  }
0xf: {  	s6 =	sor.u32 $0x1C02, s26;
	s23 =	simm.s32 $0xF00;
	s25 =	simm.s32 $0x1000  }
0x10: {  	s26 =	simm.s32 $0x1080;
	s7 =	sshrl.u32 s7, $0x3;
	s10 =	sadd.s32 s8, s1  }
0x11: {  	s9 =	smax.u32 s9, $0x1;
	s2 =	sadd.s32 s7, s2;
	s7 =	smul.u32 $0x280, s24  }
0x12: {  	s10 =	sshrl.u32 s10, $0x3;
	s24 =	simm.s32 $0xF80;
	s8 =	sadd.s32 $0x5800, s2  }
0x13: {  	s2 =	simm.s32 $0x1380;
	s7 =	sadd.s32 s0, s7;
	s0 =	simm.s32 $0x1300  }
.LBB2_1:
0x14: {  	[spmem:s10], [sflag:s6] =	dma.local [hbm:s5], $0x2800  }
0x15: {  	_ =	swait.ge [sflag:s11], $0x2800  }
0x16: {  	[sflag:s11] =	ssyncset.done $0x0  }
0x17: {  	[sflag:s11] =	ssyncadd.s32 $0xFFFFD800  }
0x18: {  	[tilespmem:s12], [sflag:$0x2] =	stream.linear.gather [hbm4b:s4+s3], $0x4000, $0x38;
	[tilespmem:$0x19400] =	vst v63  }
0x19: {  	_ =	swait.ge [sflag:s11], $0x4000  }
0x1a: {  	[sflag:s11] =	ssyncset.done $0x0  }
0x1b: {  	[sflag:s11] =	ssyncadd.s32 $0xFFFFC000  }
0x1c: {  	[tilespmem:s3], [sflag:$0x2] =	stream.linear.gather [hbm4b:s7+s3], $0x1400, $0x38;
	[tilespmem:$0x19400] =	vst v63  }
0x1d: {  	_ =	swait.ge [sflag:s11], $0x1400  }
0x1e: {  	[sflag:s11] =	ssyncset.done $0x0  }
0x1f: {  	[sflag:s11] =	ssyncadd.s32 $0xFFFFEC00  }
0x20: {  	[bflag:$0x0] =	sbarrier.arrive $0xFFFF  }
0x21: {  	[spmem:s1] =	stream.indirect.scatter.add.f32 [tilespmem:s12], [sflag:$0x1], $0x80, s3, s13, $0xb8;
	[tilespmem:$0x19400] =	vst v63  }
0x22: {  	_ = 	snop  }
0x23: {  	[spmem:s1] =	stream.indirect.scatter.add.f32 [tilespmem:s12], [sflag:$0x1], $0x80, s13, s13, $0xb8;
	[tilespmem:$0x19400] =	vst v63  }
0x24: {  	s16 =	simm.s32 $0x100  }
0x25: {  	[spmem:s1] =	stream.indirect.scatter.add.f32 [tilespmem:s12], [sflag:$0x1], $0x80, s16, s13, $0xb8;
	[tilespmem:$0x19400] =	vst v63  }
0x26: {  	s16 =	simm.s32 $0x180  }
0x27: {  	[spmem:s1] =	stream.indirect.scatter.add.f32 [tilespmem:s12], [sflag:$0x1], $0x80, s16, s13, $0xb8;
	[tilespmem:$0x19400] =	vst v63  }
0x28: {  	s16 =	simm.s32 $0x200  }
0x29: {  	[spmem:s1] =	stream.indirect.scatter.add.f32 [tilespmem:s12], [sflag:$0x1], $0x80, s16, s13, $0xb8;
	[tilespmem:$0x19400] =	vst v63  }
0x2a: {  	s16 =	simm.s32 $0x280  }
0x2b: {  	[spmem:s1] =	stream.indirect.scatter.add.f32 [tilespmem:s12], [sflag:$0x1], $0x80, s16, s13, $0xb8;
	[tilespmem:$0x19400] =	vst v63  }
0x2c: {  	s16 =	simm.s32 $0x300  }
0x2d: {  	[spmem:s1] =	stream.indirect.scatter.add.f32 [tilespmem:s12], [sflag:$0x1], $0x80, s16, s13, $0xb8;
	[tilespmem:$0x19400] =	vst v63  }
0x2e: {  	s16 =	simm.s32 $0x380  }
0x2f: {  	[spmem:s1] =	stream.indirect.scatter.add.f32 [tilespmem:s12], [sflag:$0x1], $0x80, s16, s13, $0xb8;
	[tilespmem:$0x19400] =	vst v63  }
0x30: {  	s16 =	simm.s32 $0x400  }
0x31: {  	[spmem:s1] =	stream.indirect.scatter.add.f32 [tilespmem:s12], [sflag:$0x1], $0x80, s16, s13, $0xb8;
	[tilespmem:$0x19400] =	vst v63  }
0x32: {  	s16 =	simm.s32 $0x480  }
0x33: {  	[spmem:s1] =	stream.indirect.scatter.add.f32 [tilespmem:s12], [sflag:$0x1], $0x80, s16, s13, $0xb8;
	[tilespmem:$0x19400] =	vst v63  }
0x34: {  	s16 =	simm.s32 $0x500  }
0x35: {  	[spmem:s1] =	stream.indirect.scatter.add.f32 [tilespmem:s12], [sflag:$0x1], $0x80, s16, s13, $0xb8;
	[tilespmem:$0x19400] =	vst v63  }
0x36: {  	s16 =	simm.s32 $0x580  }
0x37: {  	[spmem:s1] =	stream.indirect.scatter.add.f32 [tilespmem:s12], [sflag:$0x1], $0x80, s16, s13, $0xb8;
	[tilespmem:$0x19400] =	vst v63  }
0x38: {  	s16 =	simm.s32 $0x600  }
0x39: {  	[spmem:s1] =	stream.indirect.scatter.add.f32 [tilespmem:s12], [sflag:$0x1], $0x80, s16, s13, $0xb8;
	[tilespmem:$0x19400] =	vst v63  }
0x3a: {  	s16 =	simm.s32 $0x680  }
0x3b: {  	[spmem:s1] =	stream.indirect.scatter.add.f32 [tilespmem:s12], [sflag:$0x1], $0x80, s16, s13, $0xb8;
	[tilespmem:$0x19400] =	vst v63  }
0x3c: {  	s16 =	simm.s32 $0x700  }
0x3d: {  	[spmem:s1] =	stream.indirect.scatter.add.f32 [tilespmem:s12], [sflag:$0x1], $0x80, s16, s13, $0xb8;
	[tilespmem:$0x19400] =	vst v63  }
0x3e: {  	s16 =	simm.s32 $0x780  }
0x3f: {  	[spmem:s1] =	stream.indirect.scatter.add.f32 [tilespmem:s12], [sflag:$0x1], $0x80, s16, s13, $0xb8;
	[tilespmem:$0x19400] =	vst v63  }
0x40: {  	s16 =	simm.s32 $0x800  }
0x41: {  	[spmem:s1] =	stream.indirect.scatter.add.f32 [tilespmem:s12], [sflag:$0x1], $0x80, s16, s13, $0xb8;
	[tilespmem:$0x19400] =	vst v63  }
0x42: {  	s16 =	simm.s32 $0x880  }
0x43: {  	[spmem:s1] =	stream.indirect.scatter.add.f32 [tilespmem:s12], [sflag:$0x1], $0x80, s16, s13, $0xb8;
	[tilespmem:$0x19400] =	vst v63  }
0x44: {  	s16 =	simm.s32 $0x900  }
0x45: {  	[spmem:s1] =	stream.indirect.scatter.add.f32 [tilespmem:s12], [sflag:$0x1], $0x80, s16, s13, $0xb8;
	[tilespmem:$0x19400] =	vst v63  }
0x46: {  	s16 =	simm.s32 $0x980  }
0x47: {  	[spmem:s1] =	stream.indirect.scatter.add.f32 [tilespmem:s12], [sflag:$0x1], $0x80, s16, s13, $0xb8;
	[tilespmem:$0x19400] =	vst v63  }
0x48: {  	s16 =	simm.s32 $0xA00  }
0x49: {  	[spmem:s1] =	stream.indirect.scatter.add.f32 [tilespmem:s12], [sflag:$0x1], $0x80, s16, s13, $0xb8;
	[tilespmem:$0x19400] =	vst v63  }
0x4a: {  	s16 =	simm.s32 $0xA80  }
0x4b: {  	[spmem:s1] =	stream.indirect.scatter.add.f32 [tilespmem:s12], [sflag:$0x1], $0x80, s16, s13, $0xb8;
	[tilespmem:$0x19400] =	vst v63  }
0x4c: {  	s16 =	simm.s32 $0xB00  }
0x4d: {  	[spmem:s1] =	stream.indirect.scatter.add.f32 [tilespmem:s12], [sflag:$0x1], $0x80, s16, s13, $0xb8;
	[tilespmem:$0x19400] =	vst v63  }
0x4e: {  	s16 =	simm.s32 $0xB80  }
0x4f: {  	[spmem:s1] =	stream.indirect.scatter.add.f32 [tilespmem:s12], [sflag:$0x1], $0x80, s16, s13, $0xb8;
	[tilespmem:$0x19400] =	vst v63  }
0x50: {  	_ = 	snop  }
0x51: {  	[spmem:s1] =	stream.indirect.scatter.add.f32 [tilespmem:s12], [sflag:$0x1], $0x80, s17, s13, $0xb8;
	[tilespmem:$0x19400] =	vst v63  }
0x52: {  	_ = 	snop  }
0x53: {  	[spmem:s1] =	stream.indirect.scatter.add.f32 [tilespmem:s12], [sflag:$0x1], $0x80, s18, s13, $0xb8;
	[tilespmem:$0x19400] =	vst v63  }
0x54: {  	_ = 	snop  }
0x55: {  	[spmem:s1] =	stream.indirect.scatter.add.f32 [tilespmem:s12], [sflag:$0x1], $0x80, s19, s13, $0xb8;
	[tilespmem:$0x19400] =	vst v63  }
0x56: {  	_ = 	snop  }
0x57: {  	[spmem:s1] =	stream.indirect.scatter.add.f32 [tilespmem:s12], [sflag:$0x1], $0x80, s20, s13, $0xb8;
	[tilespmem:$0x19400] =	vst v63  }
0x58: {  	_ = 	snop  }
0x59: {  	[spmem:s1] =	stream.indirect.scatter.add.f32 [tilespmem:s12], [sflag:$0x1], $0x80, s21, s13, $0xb8;
	[tilespmem:$0x19400] =	vst v63  }
0x5a: {  	_ = 	snop  }
0x5b: {  	[spmem:s1] =	stream.indirect.scatter.add.f32 [tilespmem:s12], [sflag:$0x1], $0x80, s22, s13, $0xb8;
	[tilespmem:$0x19400] =	vst v63  }
0x5c: {  	_ = 	snop  }
0x5d: {  	[spmem:s1] =	stream.indirect.scatter.add.f32 [tilespmem:s12], [sflag:$0x1], $0x80, s23, s13, $0xb8;
	[tilespmem:$0x19400] =	vst v63  }
0x5e: {  	_ = 	snop  }
0x5f: {  	[spmem:s1] =	stream.indirect.scatter.add.f32 [tilespmem:s12], [sflag:$0x1], $0x80, s24, s13, $0xb8;
	[tilespmem:$0x19400] =	vst v63  }
0x60: {  	_ = 	snop  }
0x61: {  	[spmem:s1] =	stream.indirect.scatter.add.f32 [tilespmem:s12], [sflag:$0x1], $0x80, s25, s13, $0xb8;
	[tilespmem:$0x19400] =	vst v63  }
0x62: {  	_ = 	snop  }
0x63: {  	[spmem:s1] =	stream.indirect.scatter.add.f32 [tilespmem:s12], [sflag:$0x1], $0x80, s26, s13, $0xb8;
	[tilespmem:$0x19400] =	vst v63  }
0x64: {  	_ = 	snop  }
0x65: {  	[spmem:s1] =	stream.indirect.scatter.add.f32 [tilespmem:s12], [sflag:$0x1], $0x80, s28, s13, $0xb8;
	[tilespmem:$0x19400] =	vst v63  }
0x66: {  	_ = 	snop  }
0x67: {  	[spmem:s1] =	stream.indirect.scatter.add.f32 [tilespmem:s12], [sflag:$0x1], $0x80, s29, s13, $0xb8;
	[tilespmem:$0x19400] =	vst v63  }
0x68: {  	_ = 	snop  }
0x69: {  	[spmem:s1] =	stream.indirect.scatter.add.f32 [tilespmem:s12], [sflag:$0x1], $0x80, s30, s13, $0xb8;
	[tilespmem:$0x19400] =	vst v63  }
0x6a: {  	_ = 	snop  }
0x6b: {  	[spmem:s1] =	stream.indirect.scatter.add.f32 [tilespmem:s12], [sflag:$0x1], $0x80, s31, s13, $0xb8;
	[tilespmem:$0x19400] =	vst v63  }
0x6c: {  	_ = 	snop  }
0x6d: {  	[spmem:s1] =	stream.indirect.scatter.add.f32 [tilespmem:s12], [sflag:$0x1], $0x80, s0, s13, $0xb8;
	[tilespmem:$0x19400] =	vst v63  }
0x6e: {  	_ = 	snop  }
0x6f: {  	[spmem:s1] =	stream.indirect.scatter.add.f32 [tilespmem:s12], [sflag:$0x1], $0x80, s2, s13, $0xb8;
	[tilespmem:$0x19400] =	vst v63  }
0x70: {  	_ =	swait.ge [sflag:s14], $0x4000  }
0x71: {  	s16 =	simm.s32 $0x27;
	[sflag:s14] =	ssyncset.done $0x0  }
.LBB2_2:
0x72: {  	p0 =	sne.s32 s16, $0x1;
	s16 =	sadd.s32 $0xFFFFFFFF, s16;
	[sflag:s14] =	ssyncadd.s32 $0xFFFFC000  }
.Ltmp0:
0x73: {  	(pc) =	sbr.rel @p0 .LBB2_2-.Ltmp0, $3  }
0x74: {  	_ =	sdelay $0x1  }
0x75: {  	_ =	swait.ge [sflag:s14], $0x4000  }
0x76: {  	[sflag:s14] =	ssyncset.done $0x0  }
0x77: {  	s15 =	sadd.s32 $0x1, s15  }
0x78: {  	[sflag:s14] =	ssyncadd.s32 $0xFFFFC000;
	p0 =	sne.s32 s15, s9  }
.Ltmp1:
0x79: {  	[bflag:$0x0] =	sbarrier.arrive $0xFFFF;
	(pc) =	sbr.rel @p0 .LBB2_1-.Ltmp1, $4  }
0x7a: {  	[hbm:s8], [sflag:s6] =	dma.local [spmem:s10], $0x2800  }
0x7b: {  	_ =	swait.ge [sflag:s11], $0x2800  }
0x7c: {  	[sflag:s11] =	ssyncset.done $0x0  }
0x7d: {  	[sflag:s11] =	ssyncadd.s32 $0xFFFFD800  }
0x7e: {  	_ =	sfence.sel $0x180000  }
0x7f: {  	[bflag:$0x0] =	sbarrier.arrive $0xFFFF  }
0x80: {  	_ =	strace $0x90000047  }
0x81: {  	s0 =	stileid.u32;
	[bflag:$0x2] =	sbarrier.arrive $0xFFFF  }
0x82: {  	p0 =	sne.s32 s0, $0x0;
	s0 =	rddreg [dreg:$0x3]  }
0x83: {  	s0 =	sadd.s32 @!p0 $0x100000, s0  }
0x84: {  	[sflag:s0] =	ssyncadd.tile.s32 @!p0 $0x1;
	_ =	shalt  }
.Lfunc_end2:
_tile_overlayer_lowered:
.L_overlay_start_2:
0x85: {  	(tag) =	ssettag $0x2  }
0x86: {  	s0 =	rddreg [dreg:$0x0];
	s2 =	stileid.u32  }
0x87: {  	s1 =	rddreg [dreg:$0x1];
	p0 =	sne.s32 s2, $0x0  }
0x88: {  	s3 =	rddreg [dreg:$0x2];
	[bflag:$0x3] =	sbarrier.arrive $0xFFFF;
	s2 =	simm.s32 @!p0 $0x1C02  }
0x89: {  	[timem:s3], [sflag:s2] =	dma.local @!p0 [hbm:s0], s1  }
0x8a: {  	s0 =	simm.s32 @!p0 $0x2  }
0x8b: {  	_ =	swait.ge @!p0 [sflag:s0], s1  }
0x8c: {  	s1 =	ssub.s32 @!p0 $0x0, s1;
	[sflag:s0] =	ssyncset.done @!p0 $0x0  }
0x8d: {  	[sflag:s0] =	ssyncadd.s32 @!p0 s1  }
0x8e: {  	[bflag:$0x3] =	sbarrier.arrive $0xFFFF  }
0x8f: {  	_ =	shalt  }

</sc_bundles>
